<compile_context>
chip_gen: v7x
topology: tpu7x:2x2x1
jax: 0.10.2.dev20260603
libtpu: 0.0.44.dev20260713+nightly
codegen_flags: <defaults>
</compile_context>

<pallas_src>
import functools

import jax
import jax.numpy as jnp
from jax import lax
from jax.experimental import pallas as pl
from jax.experimental.pallas import tpu as pltpu
from jax.experimental.pallas import tpu_sc as plsc

D_MODEL = 1024
NUM_CORES = 2
NUM_SUBCORES = 16
NW = NUM_CORES * NUM_SUBCORES
CHUNK = 16
NBUF = 4
LA = 2


def _build_gather(bsz, seq):
    batch = bsz * seq
    bpw = batch // NW
    nch = bpw // CHUNK
    wpr = seq // bpw
    mesh = plsc.VectorSubcoreMesh(core_axis_name="c", subcore_axis_name="s")

    @functools.partial(
        pl.kernel,
        out_type=jax.ShapeDtypeStruct((batch, D_MODEL), jnp.float32),
        mesh=mesh,
        scratch_types=[
            pltpu.VMEM((bpw,), jnp.int32),
            pltpu.VMEM((NBUF, CHUNK, D_MODEL), jnp.float32),
            [pltpu.SemaphoreType.DMA] * NBUF,
            [pltpu.SemaphoreType.DMA] * NBUF,
        ],
    )
    def gather_kernel(idx_hbm, table_hbm, out_hbm, idx_v, buf, gsems, ssems):
        wid = lax.axis_index("s") * NUM_CORES + lax.axis_index("c")
        base = wid * bpw

        def start_gather(c, b):
            pltpu.async_copy(
                table_hbm.at[idx_v.at[pl.ds(c * CHUNK, CHUNK)]], buf.at[b], gsems[b]
            )

        def wait_gather(c, b):
            pltpu.make_async_copy(
                table_hbm.at[idx_v.at[pl.ds(c * CHUNK, CHUNK)]], buf.at[b], gsems[b]
            ).wait()

        def start_scatter(c, b):
            pltpu.async_copy(
                buf.at[b], out_hbm.at[pl.ds(base + c * CHUNK, CHUNK)], ssems[b]
            )

        def wait_scatter(c, b):
            pltpu.make_async_copy(
                buf.at[b], out_hbm.at[pl.ds(base + c * CHUNK, CHUNK)], ssems[b]
            ).wait()

        pltpu.sync_copy(
            idx_hbm.at[wid // wpr].at[pl.ds((wid % wpr) * bpw, bpw)], idx_v
        )
        for b in range(LA):
            start_gather(b, b)

        @pl.loop(0, nch, step=NBUF)
        def _(g):
            for b in range(NBUF):
                c = g + b
                wait_gather(c, b)
                start_scatter(c, b)
                c2 = c + LA
                b2 = (b + LA) % NBUF

                @pl.when(jnp.logical_and(c2 - NBUF >= 0, c2 < nch))
                def _():
                    wait_scatter(c2 - NBUF, b2)

                @pl.when(c2 < nch)
                def _():
                    start_gather(c2, b2)

        for b in range(NBUF):
            wait_scatter(nch - NBUF + b, (nch - NBUF + b) % NBUF)

    return gather_kernel


def kernel(position_ids, pe_weight):
    bsz, seq = position_ids.shape
    out = _build_gather(bsz, seq)(position_ids.astype(jnp.int32), pe_weight)
    return out.reshape(bsz, seq, D_MODEL)

# --- scband reference (transcript-rebuilt; emitter-appended) ---
"""Pipeline reference for scband-sinusoidal-postional-encoder-80187039416910 (READ-ONLY COPY).

The authoritative reference and input builder live on the scoring server;
editing this copy changes nothing except your own understanding.
"""

import jax, jax.numpy as jnp
import numpy as np

MAX_SEQ_LEN = 8192
D_MODEL = 1024


def _sinusoidal_table(n_pos, dim):
    pos = np.arange(n_pos, dtype=np.float64)[:, None]
    j = np.arange(dim, dtype=np.float64)[None, :]
    position_enc = pos / np.power(10000.0, 2.0 * (np.floor(j / 2.0)) / dim)
    out = np.zeros((n_pos, dim), dtype=np.float32)
    out[:, 0::2] = np.sin(position_enc[:, 0::2]).astype(np.float32)
    out[:, 1::2] = np.cos(position_enc[:, 1::2]).astype(np.float32)
    return jnp.asarray(out)


def setup_inputs(seed: int = 0) -> dict:
    key = jax.random.key(seed)
    k_idx = jax.random.fold_in(key, 0)
    position_ids = jax.random.randint(k_idx, (4, 8192), 0, MAX_SEQ_LEN, dtype=jnp.int64 if jax.config.jax_enable_x64 else jnp.int32)
    pe_weight = _sinusoidal_table(MAX_SEQ_LEN, D_MODEL)
    return {"position_ids": position_ids, "pe_weight": pe_weight}


def reference(position_ids, pe_weight):
    # Faithful translation of SinusoidalPostionalEncoder.forward: nn.Embedding lookup
    return jnp.take(pe_weight, position_ids, axis=0)

if __name__ == "__main__":
    import jax
    _d = setup_inputs()
    print(jax.jit(kernel)(*tuple(_d.values())))

</pallas_src>

<mosaic_0001>
#map = affine_map<(d0, d1) -> (0, 0)>
module attributes {stable_mosaic.version = 14 : i64} {
  func.func @gather_kernel(%arg0: i32, %arg1: i32, %arg2: memref<4x8192xi32, #tpu.memory_space<hbm>>, %arg3: memref<8192x1024xf32, #tpu.memory_space<hbm>>, %arg4: memref<32768x1024xf32, #tpu.memory_space<hbm>>, %arg5: memref<1024xi32, #tpu.memory_space<vmem>>, %arg6: memref<4x16x1024xf32, #tpu.memory_space<vmem>>, %arg7: memref<!tpu.dma_semaphore, #tpu.memory_space<semaphore_mem>>, %arg8: memref<!tpu.dma_semaphore, #tpu.memory_space<semaphore_mem>>, %arg9: memref<!tpu.dma_semaphore, #tpu.memory_space<semaphore_mem>>, %arg10: memref<!tpu.dma_semaphore, #tpu.memory_space<semaphore_mem>>, %arg11: memref<!tpu.dma_semaphore, #tpu.memory_space<semaphore_mem>>, %arg12: memref<!tpu.dma_semaphore, #tpu.memory_space<semaphore_mem>>, %arg13: memref<!tpu.dma_semaphore, #tpu.memory_space<semaphore_mem>>, %arg14: memref<!tpu.dma_semaphore, #tpu.memory_space<semaphore_mem>>) attributes {dimension_semantics = [#tpu.dimension_semantics<core_parallel>, #tpu.dimension_semantics<subcore_parallel>], iteration_bounds = array<i64: 2, 16>, scalar_prefetch = 0 : i64, scratch_operands = 10 : i64, tpu.core_type = #tpu.core_type<sc_vector_subcore>, window_params = [{transform_indices = #map}, {transform_indices = #map}, {transform_indices = #map}]} {
    %mul3A = arith.constant 2 : i32
    %mul3A_0 = arith.muli %arg1, %mul3A : i32
    %add3A = arith.addi %mul3A_0, %arg0 : i32
    %mul3A_1 = arith.constant 1024 : i32
    %mul3A_2 = arith.muli %add3A, %mul3A_1 : i32
    %jit3A = arith.constant 8 : i32
    %div3A = arith.divsi %add3A, %jit3A : i32
    %sign3A = arith.constant 0 : i32
    %sign3A_3 = arith.cmpi sgt, %add3A, %sign3A : i32
    %sign3A_4 = arith.extui %sign3A_3 : i1 to i32
    %sign3A_5 = arith.constant 0 : i32
    %sign3A_6 = arith.cmpi slt, %add3A, %sign3A_5 : i32
    %sign3A_7 = arith.extui %sign3A_6 : i1 to i32
    %sign3A_8 = arith.subi %sign3A_4, %sign3A_7 : i32
    %sign3A_9 = arith.constant 0 : i32
    %sign3A_10 = arith.cmpi sgt, %jit3A, %sign3A_9 : i32
    %sign3A_11 = arith.extui %sign3A_10 : i1 to i32
    %sign3A_12 = arith.constant 0 : i32
    %sign3A_13 = arith.cmpi slt, %jit3A, %sign3A_12 : i32
    %sign3A_14 = arith.extui %sign3A_13 : i1 to i32
    %sign3A_15 = arith.subi %sign3A_11, %sign3A_14 : i32
    %ne3A = arith.cmpi ne, %sign3A_8, %sign3A_15 : i32
    %rem3A = arith.remsi %add3A, %jit3A : i32
    %ne3A_16 = arith.constant 0 : i32
    %ne3A_17 = arith.cmpi ne, %rem3A, %ne3A_16 : i32
    %and3A = arith.andi %ne3A, %ne3A_17 : i1
    %sub3A = arith.constant 1 : i32
    %sub3A_18 = arith.subi %div3A, %sub3A : i32
    %select_n3A = arith.select %and3A, %sub3A_18, %div3A : i32
    %jit3A_19 = arith.constant 8 : i32
    %eq3A = arith.constant 0 : i32
    %eq3A_20 = arith.cmpi eq, %jit3A_19, %eq3A : i32
    %jit3A_21 = arith.constant 1 : i32
    %select_n3A_22 = arith.select %eq3A_20, %jit3A_21, %jit3A_19 : i32
    %rem3A_23 = arith.remsi %add3A, %select_n3A_22 : i32
    %ne3A_24 = arith.constant 0 : i32
    %ne3A_25 = arith.cmpi ne, %rem3A_23, %ne3A_24 : i32
    %lt3A = arith.constant 0 : i32
    %lt3A_26 = arith.cmpi slt, %rem3A_23, %lt3A : i32
    %lt3A_27 = arith.constant 0 : i32
    %lt3A_28 = arith.cmpi slt, %select_n3A_22, %lt3A_27 : i32
    %ne3A_29 = arith.xori %lt3A_26, %lt3A_28 : i1
    %and3A_30 = arith.andi %ne3A_29, %ne3A_25 : i1
    %add3A_31 = arith.addi %rem3A_23, %select_n3A_22 : i32
    %select_n3A_32 = arith.select %and3A_30, %add3A_31, %rem3A_23 : i32
    %mul3A_33 = arith.constant 1024 : i32
    %mul3A_34 = arith.muli %select_n3A_32, %mul3A_33 : i32
    "tpu.region"() ({
      %run_scoped3A = tpu.sem_alloc : memref<!tpu.dma_semaphore, #tpu.memory_space<semaphore_mem>>
      %dma_start3A_117 = arith.constant 0 : i32
      %dma_start3A_118 = tpu.memref_slice %arg2[%select_n3A, %dma_start3A_117] : memref<4x8192xi32, #tpu.memory_space<hbm>> -> memref<1x8192xi32, #tpu.memory_space<hbm>>
      %dma_start3A_119 = tpu.memref_squeeze %dma_start3A_118 : memref<1x8192xi32, #tpu.memory_space<hbm>> -> memref<8192xi32, #tpu.memory_space<hbm>>
      %dma_start3A_120 = tpu.memref_slice %dma_start3A_119[%mul3A_34] : memref<8192xi32, #tpu.memory_space<hbm>> -> memref<1024xi32, #tpu.memory_space<hbm>>
      %dma_start3A_121 = arith.constant 0 : i32
      %dma_start3A_122 = tpu.memref_slice %arg2[%select_n3A, %dma_start3A_121] : memref<4x8192xi32, #tpu.memory_space<hbm>> -> memref<1x8192xi32, #tpu.memory_space<hbm>>
      %dma_start3A_123 = tpu.memref_squeeze %dma_start3A_122 : memref<1x8192xi32, #tpu.memory_space<hbm>> -> memref<8192xi32, #tpu.memory_space<hbm>>
      %dma_start3A_124 = tpu.memref_slice %dma_start3A_123[%mul3A_34] : memref<8192xi32, #tpu.memory_space<hbm>> -> memref<1024xi32, #tpu.memory_space<hbm>>
      tpu.enqueue_dma source(%dma_start3A_124 : memref<1024xi32, #tpu.memory_space<hbm>>) target(%arg5 : memref<1024xi32, #tpu.memory_space<vmem>>) target_semaphore(%run_scoped3A : memref<!tpu.dma_semaphore, #tpu.memory_space<semaphore_mem>>)
      %dma_wait3A_125 = arith.constant 0 : i32
      %dma_wait3A_126 = tpu.memref_slice %arg2[%select_n3A, %dma_wait3A_125] : memref<4x8192xi32, #tpu.memory_space<hbm>> -> memref<1x8192xi32, #tpu.memory_space<hbm>>
      %dma_wait3A_127 = tpu.memref_squeeze %dma_wait3A_126 : memref<1x8192xi32, #tpu.memory_space<hbm>> -> memref<8192xi32, #tpu.memory_space<hbm>>
      %dma_wait3A_128 = tpu.memref_slice %dma_wait3A_127[%mul3A_34] : memref<8192xi32, #tpu.memory_space<hbm>> -> memref<1024xi32, #tpu.memory_space<hbm>>
      %dma_wait3A_129 = arith.constant 0 : i32
      %dma_wait3A_130 = tpu.memref_slice %arg2[%select_n3A, %dma_wait3A_129] : memref<4x8192xi32, #tpu.memory_space<hbm>> -> memref<1x8192xi32, #tpu.memory_space<hbm>>
      %dma_wait3A_131 = tpu.memref_squeeze %dma_wait3A_130 : memref<1x8192xi32, #tpu.memory_space<hbm>> -> memref<8192xi32, #tpu.memory_space<hbm>>
      %dma_wait3A_132 = tpu.memref_slice %dma_wait3A_131[%mul3A_34] : memref<8192xi32, #tpu.memory_space<hbm>> -> memref<1024xi32, #tpu.memory_space<hbm>>
      tpu.wait_dma2 semaphore(%run_scoped3A : memref<!tpu.dma_semaphore, #tpu.memory_space<semaphore_mem>>) src(%dma_wait3A_132 : memref<1024xi32, #tpu.memory_space<hbm>>) dst(%arg5 : memref<1024xi32, #tpu.memory_space<vmem>>)
      tpu.yield
    }) : () -> ()
    %dma_start3A = arith.constant 0 : i32
    %dma_start3A_35 = arith.constant 0 : i32
    %dma_start3A_36 = arith.constant 0 : i32
    %dma_start3A_37 = tpu.memref_slice %arg6[%dma_start3A, %dma_start3A_35, %dma_start3A_36] : memref<4x16x1024xf32, #tpu.memory_space<vmem>> -> memref<1x16x1024xf32, #tpu.memory_space<vmem>>
    %dma_start3A_38 = tpu.memref_squeeze %dma_start3A_37 : memref<1x16x1024xf32, #tpu.memory_space<vmem>> -> memref<16x1024xf32, #tpu.memory_space<vmem>>
    %dma_start3A_39 = arith.constant 0 : i32
    %dma_start3A_40 = tpu.memref_slice %arg5[%dma_start3A_39] : memref<1024xi32, #tpu.memory_space<vmem>> -> memref<16xi32, #tpu.memory_space<vmem>>
    %dma_start3A_41 = arith.constant 0 : i32
    %dma_start3A_42 = arith.constant 0 : i32
    %dma_start3A_43 = tpu.memref_slice %arg3[%dma_start3A_41, %dma_start3A_42] : memref<8192x1024xf32, #tpu.memory_space<hbm>> -> memref<8192x1024xf32, #tpu.memory_space<hbm>>
    tpu.enqueue_indirect_dma source(%dma_start3A_43 : memref<8192x1024xf32, #tpu.memory_space<hbm>>) target(%dma_start3A_38 : memref<16x1024xf32, #tpu.memory_space<vmem>>) offsets(%dma_start3A_40 : memref<16xi32, #tpu.memory_space<vmem>>) semaphore(%arg7 : memref<!tpu.dma_semaphore, #tpu.memory_space<semaphore_mem>>)
    %dma_start3A_44 = arith.constant 1 : i32
    %dma_start3A_45 = arith.constant 0 : i32
    %dma_start3A_46 = arith.constant 0 : i32
    %dma_start3A_47 = tpu.memref_slice %arg6[%dma_start3A_44, %dma_start3A_45, %dma_start3A_46] : memref<4x16x1024xf32, #tpu.memory_space<vmem>> -> memref<1x16x1024xf32, #tpu.memory_space<vmem>>
    %dma_start3A_48 = tpu.memref_squeeze %dma_start3A_47 : memref<1x16x1024xf32, #tpu.memory_space<vmem>> -> memref<16x1024xf32, #tpu.memory_space<vmem>>
    %dma_start3A_49 = arith.constant 16 : i32
    %dma_start3A_50 = tpu.memref_slice %arg5[%dma_start3A_49] : memref<1024xi32, #tpu.memory_space<vmem>> -> memref<16xi32, #tpu.memory_space<vmem>>
    %dma_start3A_51 = arith.constant 0 : i32
    %dma_start3A_52 = arith.constant 0 : i32
    %dma_start3A_53 = tpu.memref_slice %arg3[%dma_start3A_51, %dma_start3A_52] : memref<8192x1024xf32, #tpu.memory_space<hbm>> -> memref<8192x1024xf32, #tpu.memory_space<hbm>>
    tpu.enqueue_indirect_dma source(%dma_start3A_53 : memref<8192x1024xf32, #tpu.memory_space<hbm>>) target(%dma_start3A_48 : memref<16x1024xf32, #tpu.memory_space<vmem>>) offsets(%dma_start3A_50 : memref<16xi32, #tpu.memory_space<vmem>>) semaphore(%arg8 : memref<!tpu.dma_semaphore, #tpu.memory_space<semaphore_mem>>)
    %scan3A = arith.constant 0 : i32
    %scan3A_54 = arith.constant 16 : i32
    %scan3A_55 = arith.addi %scan3A, %scan3A_54 : i32
    %scan3A_56 = arith.constant 1 : i32
    scf.for %scan3A_117 = %scan3A to %scan3A_55 step %scan3A_56  : i32 {
      %mul3A_118 = arith.constant 4 : i32
      %mul3A_119 = arith.muli %scan3A_117, %mul3A_118 : i32
      %add3A_120 = arith.constant 0 : i32
      %add3A_121 = arith.addi %add3A_120, %mul3A_119 : i32
      %add3A_122 = arith.constant 0 : i32
      %add3A_123 = arith.addi %add3A_121, %add3A_122 : i32
      %mul3A_124 = arith.constant 16 : i32
      %mul3A_125 = arith.muli %add3A_123, %mul3A_124 : i32
      %dma_wait3A_126 = arith.constant 0 : i32
      %dma_wait3A_127 = arith.constant 0 : i32
      %dma_wait3A_128 = arith.constant 0 : i32
      %dma_wait3A_129 = tpu.memref_slice %arg6[%dma_wait3A_126, %dma_wait3A_127, %dma_wait3A_128] : memref<4x16x1024xf32, #tpu.memory_space<vmem>> -> memref<1x16x1024xf32, #tpu.memory_space<vmem>>
      %dma_wait3A_130 = tpu.memref_squeeze %dma_wait3A_129 : memref<1x16x1024xf32, #tpu.memory_space<vmem>> -> memref<16x1024xf32, #tpu.memory_space<vmem>>
      %dma_wait3A_131 = tpu.memref_slice %arg5[%mul3A_125] : memref<1024xi32, #tpu.memory_space<vmem>> -> memref<16xi32, #tpu.memory_space<vmem>>
      %dma_wait3A_132 = arith.constant 0 : i32
      %dma_wait3A_133 = arith.constant 0 : i32
      %dma_wait3A_134 = tpu.memref_slice %arg3[%dma_wait3A_132, %dma_wait3A_133] : memref<8192x1024xf32, #tpu.memory_space<hbm>> -> memref<8192x1024xf32, #tpu.memory_space<hbm>>
      tpu.wait_indirect_dma semaphore(%arg7 : memref<!tpu.dma_semaphore, #tpu.memory_space<semaphore_mem>>) src(%dma_wait3A_134 : memref<8192x1024xf32, #tpu.memory_space<hbm>>) dst(%dma_wait3A_130 : memref<16x1024xf32, #tpu.memory_space<vmem>>)
      %mul3A_135 = arith.constant 16 : i32
      %mul3A_136 = arith.muli %add3A_123, %mul3A_135 : i32
      %add3A_137 = arith.addi %mul3A_2, %mul3A_136 : i32
      %dma_start3A_138 = arith.constant 0 : i32
      %dma_start3A_139 = arith.constant 0 : i32
      %dma_start3A_140 = arith.constant 0 : i32
      %dma_start3A_141 = tpu.memref_slice %arg6[%dma_start3A_138, %dma_start3A_139, %dma_start3A_140] : memref<4x16x1024xf32, #tpu.memory_space<vmem>> -> memref<1x16x1024xf32, #tpu.memory_space<vmem>>
      %dma_start3A_142 = tpu.memref_squeeze %dma_start3A_141 : memref<1x16x1024xf32, #tpu.memory_space<vmem>> -> memref<16x1024xf32, #tpu.memory_space<vmem>>
      %dma_start3A_143 = arith.constant 0 : i32
      %dma_start3A_144 = tpu.memref_slice %arg4[%add3A_137, %dma_start3A_143] : memref<32768x1024xf32, #tpu.memory_space<hbm>> -> memref<16x1024xf32, #tpu.memory_space<hbm>>
      %dma_start3A_145 = arith.constant 0 : i32
      %dma_start3A_146 = tpu.memref_slice %arg4[%add3A_137, %dma_start3A_145] : memref<32768x1024xf32, #tpu.memory_space<hbm>> -> memref<16x1024xf32, #tpu.memory_space<hbm>>
      %dma_start3A_147 = arith.constant 0 : i32
      %dma_start3A_148 = arith.constant 0 : i32
      %dma_start3A_149 = tpu.memref_slice %arg6[%dma_start3A_138, %dma_start3A_147, %dma_start3A_148] : memref<4x16x1024xf32, #tpu.memory_space<vmem>> -> memref<1x16x1024xf32, #tpu.memory_space<vmem>>
      %dma_start3A_150 = tpu.memref_squeeze %dma_start3A_149 : memref<1x16x1024xf32, #tpu.memory_space<vmem>> -> memref<16x1024xf32, #tpu.memory_space<vmem>>
      tpu.enqueue_dma source(%dma_start3A_150 : memref<16x1024xf32, #tpu.memory_space<vmem>>) target(%dma_start3A_146 : memref<16x1024xf32, #tpu.memory_space<hbm>>) target_semaphore(%arg11 : memref<!tpu.dma_semaphore, #tpu.memory_space<semaphore_mem>>)
      %add3A_151 = arith.constant 2 : i32
      %add3A_152 = arith.addi %add3A_123, %add3A_151 : i32
      %sub3A_153 = arith.constant 4 : i32
      %sub3A_154 = arith.subi %add3A_152, %sub3A_153 : i32
      %ge3A = arith.constant 0 : i32
      %ge3A_155 = arith.cmpi sge, %sub3A_154, %ge3A : i32
      %lt3A_156 = arith.constant 64 : i32
      %lt3A_157 = arith.cmpi slt, %add3A_152, %lt3A_156 : i32
      %and3A_158 = arith.andi %ge3A_155, %lt3A_157 : i1
      %convert_element_type3A = arith.extui %and3A_158 : i1 to i32
      %cond3A = arith.constant 0 : i32
      %cond3A_159 = arith.cmpi ne, %convert_element_type3A, %cond3A : i32
      scf.if %cond3A_159 {
        %sub3A_303 = arith.constant 4 : i32
        %sub3A_304 = arith.subi %add3A_152, %sub3A_303 : i32
        %mul3A_305 = arith.constant 16 : i32
        %mul3A_306 = arith.muli %sub3A_304, %mul3A_305 : i32
        %add3A_307 = arith.addi %mul3A_2, %mul3A_306 : i32
        %dma_wait3A_308 = arith.constant 2 : i32
        %dma_wait3A_309 = arith.constant 0 : i32
        %dma_wait3A_310 = arith.constant 0 : i32
        %dma_wait3A_311 = tpu.memref_slice %arg6[%dma_wait3A_308, %dma_wait3A_309, %dma_wait3A_310] : memref<4x16x1024xf32, #tpu.memory_space<vmem>> -> memref<1x16x1024xf32, #tpu.memory_space<vmem>>
        %dma_wait3A_312 = tpu.memref_squeeze %dma_wait3A_311 : memref<1x16x1024xf32, #tpu.memory_space<vmem>> -> memref<16x1024xf32, #tpu.memory_space<vmem>>
        %dma_wait3A_313 = arith.constant 0 : i32
        %dma_wait3A_314 = tpu.memref_slice %arg4[%add3A_307, %dma_wait3A_313] : memref<32768x1024xf32, #tpu.memory_space<hbm>> -> memref<16x1024xf32, #tpu.memory_space<hbm>>
        %dma_wait3A_315 = arith.constant 0 : i32
        %dma_wait3A_316 = tpu.memref_slice %arg4[%add3A_307, %dma_wait3A_315] : memref<32768x1024xf32, #tpu.memory_space<hbm>> -> memref<16x1024xf32, #tpu.memory_space<hbm>>
        %dma_wait3A_317 = arith.constant 0 : i32
        %dma_wait3A_318 = arith.constant 0 : i32
        %dma_wait3A_319 = tpu.memref_slice %arg6[%dma_wait3A_308, %dma_wait3A_317, %dma_wait3A_318] : memref<4x16x1024xf32, #tpu.memory_space<vmem>> -> memref<1x16x1024xf32, #tpu.memory_space<vmem>>
        %dma_wait3A_320 = tpu.memref_squeeze %dma_wait3A_319 : memref<1x16x1024xf32, #tpu.memory_space<vmem>> -> memref<16x1024xf32, #tpu.memory_space<vmem>>
        tpu.wait_dma2 semaphore(%arg13 : memref<!tpu.dma_semaphore, #tpu.memory_space<semaphore_mem>>) src(%dma_wait3A_320 : memref<16x1024xf32, #tpu.memory_space<vmem>>) dst(%dma_wait3A_316 : memref<16x1024xf32, #tpu.memory_space<hbm>>)
      } else {
      }
      %lt3A_160 = arith.constant 64 : i32
      %lt3A_161 = arith.cmpi slt, %add3A_152, %lt3A_160 : i32
      %convert_element_type3A_162 = arith.extui %lt3A_161 : i1 to i32
      %cond3A_163 = arith.constant 0 : i32
      %cond3A_164 = arith.cmpi ne, %convert_element_type3A_162, %cond3A_163 : i32
      scf.if %cond3A_164 {
        %mul3A_303 = arith.constant 16 : i32
        %mul3A_304 = arith.muli %add3A_152, %mul3A_303 : i32
        %dma_start3A_305 = arith.constant 2 : i32
        %dma_start3A_306 = arith.constant 0 : i32
        %dma_start3A_307 = arith.constant 0 : i32
        %dma_start3A_308 = tpu.memref_slice %arg6[%dma_start3A_305, %dma_start3A_306, %dma_start3A_307] : memref<4x16x1024xf32, #tpu.memory_space<vmem>> -> memref<1x16x1024xf32, #tpu.memory_space<vmem>>
        %dma_start3A_309 = tpu.memref_squeeze %dma_start3A_308 : memref<1x16x1024xf32, #tpu.memory_space<vmem>> -> memref<16x1024xf32, #tpu.memory_space<vmem>>
        %dma_start3A_310 = tpu.memref_slice %arg5[%mul3A_304] : memref<1024xi32, #tpu.memory_space<vmem>> -> memref<16xi32, #tpu.memory_space<vmem>>
        %dma_start3A_311 = arith.constant 0 : i32
        %dma_start3A_312 = arith.constant 0 : i32
        %dma_start3A_313 = tpu.memref_slice %arg3[%dma_start3A_311, %dma_start3A_312] : memref<8192x1024xf32, #tpu.memory_space<hbm>> -> memref<8192x1024xf32, #tpu.memory_space<hbm>>
        tpu.enqueue_indirect_dma source(%dma_start3A_313 : memref<8192x1024xf32, #tpu.memory_space<hbm>>) target(%dma_start3A_309 : memref<16x1024xf32, #tpu.memory_space<vmem>>) offsets(%dma_start3A_310 : memref<16xi32, #tpu.memory_space<vmem>>) semaphore(%arg9 : memref<!tpu.dma_semaphore, #tpu.memory_space<semaphore_mem>>)
      } else {
      }
      %add3A_165 = arith.constant 1 : i32
      %add3A_166 = arith.addi %add3A_121, %add3A_165 : i32
      %mul3A_167 = arith.constant 16 : i32
      %mul3A_168 = arith.muli %add3A_166, %mul3A_167 : i32
      %dma_wait3A_169 = arith.constant 1 : i32
      %dma_wait3A_170 = arith.constant 0 : i32
      %dma_wait3A_171 = arith.constant 0 : i32
      %dma_wait3A_172 = tpu.memref_slice %arg6[%dma_wait3A_169, %dma_wait3A_170, %dma_wait3A_171] : memref<4x16x1024xf32, #tpu.memory_space<vmem>> -> memref<1x16x1024xf32, #tpu.memory_space<vmem>>
      %dma_wait3A_173 = tpu.memref_squeeze %dma_wait3A_172 : memref<1x16x1024xf32, #tpu.memory_space<vmem>> -> memref<16x1024xf32, #tpu.memory_space<vmem>>
      %dma_wait3A_174 = tpu.memref_slice %arg5[%mul3A_168] : memref<1024xi32, #tpu.memory_space<vmem>> -> memref<16xi32, #tpu.memory_space<vmem>>
      %dma_wait3A_175 = arith.constant 0 : i32
      %dma_wait3A_176 = arith.constant 0 : i32
      %dma_wait3A_177 = tpu.memref_slice %arg3[%dma_wait3A_175, %dma_wait3A_176] : memref<8192x1024xf32, #tpu.memory_space<hbm>> -> memref<8192x1024xf32, #tpu.memory_space<hbm>>
      tpu.wait_indirect_dma semaphore(%arg8 : memref<!tpu.dma_semaphore, #tpu.memory_space<semaphore_mem>>) src(%dma_wait3A_177 : memref<8192x1024xf32, #tpu.memory_space<hbm>>) dst(%dma_wait3A_173 : memref<16x1024xf32, #tpu.memory_space<vmem>>)
      %mul3A_178 = arith.constant 16 : i32
      %mul3A_179 = arith.muli %add3A_166, %mul3A_178 : i32
      %add3A_180 = arith.addi %mul3A_2, %mul3A_179 : i32
      %dma_start3A_181 = arith.constant 1 : i32
      %dma_start3A_182 = arith.constant 0 : i32
      %dma_start3A_183 = arith.constant 0 : i32
      %dma_start3A_184 = tpu.memref_slice %arg6[%dma_start3A_181, %dma_start3A_182, %dma_start3A_183] : memref<4x16x1024xf32, #tpu.memory_space<vmem>> -> memref<1x16x1024xf32, #tpu.memory_space<vmem>>
      %dma_start3A_185 = tpu.memref_squeeze %dma_start3A_184 : memref<1x16x1024xf32, #tpu.memory_space<vmem>> -> memref<16x1024xf32, #tpu.memory_space<vmem>>
      %dma_start3A_186 = arith.constant 0 : i32
      %dma_start3A_187 = tpu.memref_slice %arg4[%add3A_180, %dma_start3A_186] : memref<32768x1024xf32, #tpu.memory_space<hbm>> -> memref<16x1024xf32, #tpu.memory_space<hbm>>
      %dma_start3A_188 = arith.constant 0 : i32
      %dma_start3A_189 = tpu.memref_slice %arg4[%add3A_180, %dma_start3A_188] : memref<32768x1024xf32, #tpu.memory_space<hbm>> -> memref<16x1024xf32, #tpu.memory_space<hbm>>
      %dma_start3A_190 = arith.constant 0 : i32
      %dma_start3A_191 = arith.constant 0 : i32
      %dma_start3A_192 = tpu.memref_slice %arg6[%dma_start3A_181, %dma_start3A_190, %dma_start3A_191] : memref<4x16x1024xf32, #tpu.memory_space<vmem>> -> memref<1x16x1024xf32, #tpu.memory_space<vmem>>
      %dma_start3A_193 = tpu.memref_squeeze %dma_start3A_192 : memref<1x16x1024xf32, #tpu.memory_space<vmem>> -> memref<16x1024xf32, #tpu.memory_space<vmem>>
      tpu.enqueue_dma source(%dma_start3A_193 : memref<16x1024xf32, #tpu.memory_space<vmem>>) target(%dma_start3A_189 : memref<16x1024xf32, #tpu.memory_space<hbm>>) target_semaphore(%arg12 : memref<!tpu.dma_semaphore, #tpu.memory_space<semaphore_mem>>)
      %add3A_194 = arith.constant 2 : i32
      %add3A_195 = arith.addi %add3A_166, %add3A_194 : i32
      %sub3A_196 = arith.constant 4 : i32
      %sub3A_197 = arith.subi %add3A_195, %sub3A_196 : i32
      %ge3A_198 = arith.constant 0 : i32
      %ge3A_199 = arith.cmpi sge, %sub3A_197, %ge3A_198 : i32
      %lt3A_200 = arith.constant 64 : i32
      %lt3A_201 = arith.cmpi slt, %add3A_195, %lt3A_200 : i32
      %and3A_202 = arith.andi %ge3A_199, %lt3A_201 : i1
      %convert_element_type3A_203 = arith.extui %and3A_202 : i1 to i32
      %cond3A_204 = arith.constant 0 : i32
      %cond3A_205 = arith.cmpi ne, %convert_element_type3A_203, %cond3A_204 : i32
      scf.if %cond3A_205 {
        %sub3A_303 = arith.constant 4 : i32
        %sub3A_304 = arith.subi %add3A_195, %sub3A_303 : i32
        %mul3A_305 = arith.constant 16 : i32
        %mul3A_306 = arith.muli %sub3A_304, %mul3A_305 : i32
        %add3A_307 = arith.addi %mul3A_2, %mul3A_306 : i32
        %dma_wait3A_308 = arith.constant 3 : i32
        %dma_wait3A_309 = arith.constant 0 : i32
        %dma_wait3A_310 = arith.constant 0 : i32
        %dma_wait3A_311 = tpu.memref_slice %arg6[%dma_wait3A_308, %dma_wait3A_309, %dma_wait3A_310] : memref<4x16x1024xf32, #tpu.memory_space<vmem>> -> memref<1x16x1024xf32, #tpu.memory_space<vmem>>
        %dma_wait3A_312 = tpu.memref_squeeze %dma_wait3A_311 : memref<1x16x1024xf32, #tpu.memory_space<vmem>> -> memref<16x1024xf32, #tpu.memory_space<vmem>>
        %dma_wait3A_313 = arith.constant 0 : i32
        %dma_wait3A_314 = tpu.memref_slice %arg4[%add3A_307, %dma_wait3A_313] : memref<32768x1024xf32, #tpu.memory_space<hbm>> -> memref<16x1024xf32, #tpu.memory_space<hbm>>
        %dma_wait3A_315 = arith.constant 0 : i32
        %dma_wait3A_316 = tpu.memref_slice %arg4[%add3A_307, %dma_wait3A_315] : memref<32768x1024xf32, #tpu.memory_space<hbm>> -> memref<16x1024xf32, #tpu.memory_space<hbm>>
        %dma_wait3A_317 = arith.constant 0 : i32
        %dma_wait3A_318 = arith.constant 0 : i32
        %dma_wait3A_319 = tpu.memref_slice %arg6[%dma_wait3A_308, %dma_wait3A_317, %dma_wait3A_318] : memref<4x16x1024xf32, #tpu.memory_space<vmem>> -> memref<1x16x1024xf32, #tpu.memory_space<vmem>>
        %dma_wait3A_320 = tpu.memref_squeeze %dma_wait3A_319 : memref<1x16x1024xf32, #tpu.memory_space<vmem>> -> memref<16x1024xf32, #tpu.memory_space<vmem>>
        tpu.wait_dma2 semaphore(%arg14 : memref<!tpu.dma_semaphore, #tpu.memory_space<semaphore_mem>>) src(%dma_wait3A_320 : memref<16x1024xf32, #tpu.memory_space<vmem>>) dst(%dma_wait3A_316 : memref<16x1024xf32, #tpu.memory_space<hbm>>)
      } else {
      }
      %lt3A_206 = arith.constant 64 : i32
      %lt3A_207 = arith.cmpi slt, %add3A_195, %lt3A_206 : i32
      %convert_element_type3A_208 = arith.extui %lt3A_207 : i1 to i32
      %cond3A_209 = arith.constant 0 : i32
      %cond3A_210 = arith.cmpi ne, %convert_element_type3A_208, %cond3A_209 : i32
      scf.if %cond3A_210 {
        %mul3A_303 = arith.constant 16 : i32
        %mul3A_304 = arith.muli %add3A_195, %mul3A_303 : i32
        %dma_start3A_305 = arith.constant 3 : i32
        %dma_start3A_306 = arith.constant 0 : i32
        %dma_start3A_307 = arith.constant 0 : i32
        %dma_start3A_308 = tpu.memref_slice %arg6[%dma_start3A_305, %dma_start3A_306, %dma_start3A_307] : memref<4x16x1024xf32, #tpu.memory_space<vmem>> -> memref<1x16x1024xf32, #tpu.memory_space<vmem>>
        %dma_start3A_309 = tpu.memref_squeeze %dma_start3A_308 : memref<1x16x1024xf32, #tpu.memory_space<vmem>> -> memref<16x1024xf32, #tpu.memory_space<vmem>>
        %dma_start3A_310 = tpu.memref_slice %arg5[%mul3A_304] : memref<1024xi32, #tpu.memory_space<vmem>> -> memref<16xi32, #tpu.memory_space<vmem>>
        %dma_start3A_311 = arith.constant 0 : i32
        %dma_start3A_312 = arith.constant 0 : i32
        %dma_start3A_313 = tpu.memref_slice %arg3[%dma_start3A_311, %dma_start3A_312] : memref<8192x1024xf32, #tpu.memory_space<hbm>> -> memref<8192x1024xf32, #tpu.memory_space<hbm>>
        tpu.enqueue_indirect_dma source(%dma_start3A_313 : memref<8192x1024xf32, #tpu.memory_space<hbm>>) target(%dma_start3A_309 : memref<16x1024xf32, #tpu.memory_space<vmem>>) offsets(%dma_start3A_310 : memref<16xi32, #tpu.memory_space<vmem>>) semaphore(%arg10 : memref<!tpu.dma_semaphore, #tpu.memory_space<semaphore_mem>>)
      } else {
      }
      %add3A_211 = arith.constant 2 : i32
      %add3A_212 = arith.addi %add3A_121, %add3A_211 : i32
      %mul3A_213 = arith.constant 16 : i32
      %mul3A_214 = arith.muli %add3A_212, %mul3A_213 : i32
      %dma_wait3A_215 = arith.constant 2 : i32
      %dma_wait3A_216 = arith.constant 0 : i32
      %dma_wait3A_217 = arith.constant 0 : i32
      %dma_wait3A_218 = tpu.memref_slice %arg6[%dma_wait3A_215, %dma_wait3A_216, %dma_wait3A_217] : memref<4x16x1024xf32, #tpu.memory_space<vmem>> -> memref<1x16x1024xf32, #tpu.memory_space<vmem>>
      %dma_wait3A_219 = tpu.memref_squeeze %dma_wait3A_218 : memref<1x16x1024xf32, #tpu.memory_space<vmem>> -> memref<16x1024xf32, #tpu.memory_space<vmem>>
      %dma_wait3A_220 = tpu.memref_slice %arg5[%mul3A_214] : memref<1024xi32, #tpu.memory_space<vmem>> -> memref<16xi32, #tpu.memory_space<vmem>>
      %dma_wait3A_221 = arith.constant 0 : i32
      %dma_wait3A_222 = arith.constant 0 : i32
      %dma_wait3A_223 = tpu.memref_slice %arg3[%dma_wait3A_221, %dma_wait3A_222] : memref<8192x1024xf32, #tpu.memory_space<hbm>> -> memref<8192x1024xf32, #tpu.memory_space<hbm>>
      tpu.wait_indirect_dma semaphore(%arg9 : memref<!tpu.dma_semaphore, #tpu.memory_space<semaphore_mem>>) src(%dma_wait3A_223 : memref<8192x1024xf32, #tpu.memory_space<hbm>>) dst(%dma_wait3A_219 : memref<16x1024xf32, #tpu.memory_space<vmem>>)
      %mul3A_224 = arith.constant 16 : i32
      %mul3A_225 = arith.muli %add3A_212, %mul3A_224 : i32
      %add3A_226 = arith.addi %mul3A_2, %mul3A_225 : i32
      %dma_start3A_227 = arith.constant 2 : i32
      %dma_start3A_228 = arith.constant 0 : i32
      %dma_start3A_229 = arith.constant 0 : i32
      %dma_start3A_230 = tpu.memref_slice %arg6[%dma_start3A_227, %dma_start3A_228, %dma_start3A_229] : memref<4x16x1024xf32, #tpu.memory_space<vmem>> -> memref<1x16x1024xf32, #tpu.memory_space<vmem>>
      %dma_start3A_231 = tpu.memref_squeeze %dma_start3A_230 : memref<1x16x1024xf32, #tpu.memory_space<vmem>> -> memref<16x1024xf32, #tpu.memory_space<vmem>>
      %dma_start3A_232 = arith.constant 0 : i32
      %dma_start3A_233 = tpu.memref_slice %arg4[%add3A_226, %dma_start3A_232] : memref<32768x1024xf32, #tpu.memory_space<hbm>> -> memref<16x1024xf32, #tpu.memory_space<hbm>>
      %dma_start3A_234 = arith.constant 0 : i32
      %dma_start3A_235 = tpu.memref_slice %arg4[%add3A_226, %dma_start3A_234] : memref<32768x1024xf32, #tpu.memory_space<hbm>> -> memref<16x1024xf32, #tpu.memory_space<hbm>>
      %dma_start3A_236 = arith.constant 0 : i32
      %dma_start3A_237 = arith.constant 0 : i32
      %dma_start3A_238 = tpu.memref_slice %arg6[%dma_start3A_227, %dma_start3A_236, %dma_start3A_237] : memref<4x16x1024xf32, #tpu.memory_space<vmem>> -> memref<1x16x1024xf32, #tpu.memory_space<vmem>>
      %dma_start3A_239 = tpu.memref_squeeze %dma_start3A_238 : memref<1x16x1024xf32, #tpu.memory_space<vmem>> -> memref<16x1024xf32, #tpu.memory_space<vmem>>
      tpu.enqueue_dma source(%dma_start3A_239 : memref<16x1024xf32, #tpu.memory_space<vmem>>) target(%dma_start3A_235 : memref<16x1024xf32, #tpu.memory_space<hbm>>) target_semaphore(%arg13 : memref<!tpu.dma_semaphore, #tpu.memory_space<semaphore_mem>>)
      %add3A_240 = arith.constant 2 : i32
      %add3A_241 = arith.addi %add3A_212, %add3A_240 : i32
      %sub3A_242 = arith.constant 4 : i32
      %sub3A_243 = arith.subi %add3A_241, %sub3A_242 : i32
      %ge3A_244 = arith.constant 0 : i32
      %ge3A_245 = arith.cmpi sge, %sub3A_243, %ge3A_244 : i32
      %lt3A_246 = arith.constant 64 : i32
      %lt3A_247 = arith.cmpi slt, %add3A_241, %lt3A_246 : i32
      %and3A_248 = arith.andi %ge3A_245, %lt3A_247 : i1
      %convert_element_type3A_249 = arith.extui %and3A_248 : i1 to i32
      %cond3A_250 = arith.constant 0 : i32
      %cond3A_251 = arith.cmpi ne, %convert_element_type3A_249, %cond3A_250 : i32
      scf.if %cond3A_251 {
        %sub3A_303 = arith.constant 4 : i32
        %sub3A_304 = arith.subi %add3A_241, %sub3A_303 : i32
        %mul3A_305 = arith.constant 16 : i32
        %mul3A_306 = arith.muli %sub3A_304, %mul3A_305 : i32
        %add3A_307 = arith.addi %mul3A_2, %mul3A_306 : i32
        %dma_wait3A_308 = arith.constant 0 : i32
        %dma_wait3A_309 = arith.constant 0 : i32
        %dma_wait3A_310 = arith.constant 0 : i32
        %dma_wait3A_311 = tpu.memref_slice %arg6[%dma_wait3A_308, %dma_wait3A_309, %dma_wait3A_310] : memref<4x16x1024xf32, #tpu.memory_space<vmem>> -> memref<1x16x1024xf32, #tpu.memory_space<vmem>>
        %dma_wait3A_312 = tpu.memref_squeeze %dma_wait3A_311 : memref<1x16x1024xf32, #tpu.memory_space<vmem>> -> memref<16x1024xf32, #tpu.memory_space<vmem>>
        %dma_wait3A_313 = arith.constant 0 : i32
        %dma_wait3A_314 = tpu.memref_slice %arg4[%add3A_307, %dma_wait3A_313] : memref<32768x1024xf32, #tpu.memory_space<hbm>> -> memref<16x1024xf32, #tpu.memory_space<hbm>>
        %dma_wait3A_315 = arith.constant 0 : i32
        %dma_wait3A_316 = tpu.memref_slice %arg4[%add3A_307, %dma_wait3A_315] : memref<32768x1024xf32, #tpu.memory_space<hbm>> -> memref<16x1024xf32, #tpu.memory_space<hbm>>
        %dma_wait3A_317 = arith.constant 0 : i32
        %dma_wait3A_318 = arith.constant 0 : i32
        %dma_wait3A_319 = tpu.memref_slice %arg6[%dma_wait3A_308, %dma_wait3A_317, %dma_wait3A_318] : memref<4x16x1024xf32, #tpu.memory_space<vmem>> -> memref<1x16x1024xf32, #tpu.memory_space<vmem>>
        %dma_wait3A_320 = tpu.memref_squeeze %dma_wait3A_319 : memref<1x16x1024xf32, #tpu.memory_space<vmem>> -> memref<16x1024xf32, #tpu.memory_space<vmem>>
        tpu.wait_dma2 semaphore(%arg11 : memref<!tpu.dma_semaphore, #tpu.memory_space<semaphore_mem>>) src(%dma_wait3A_320 : memref<16x1024xf32, #tpu.memory_space<vmem>>) dst(%dma_wait3A_316 : memref<16x1024xf32, #tpu.memory_space<hbm>>)
      } else {
      }
      %lt3A_252 = arith.constant 64 : i32
      %lt3A_253 = arith.cmpi slt, %add3A_241, %lt3A_252 : i32
      %convert_element_type3A_254 = arith.extui %lt3A_253 : i1 to i32
      %cond3A_255 = arith.constant 0 : i32
      %cond3A_256 = arith.cmpi ne, %convert_element_type3A_254, %cond3A_255 : i32
      scf.if %cond3A_256 {
        %mul3A_303 = arith.constant 16 : i32
        %mul3A_304 = arith.muli %add3A_241, %mul3A_303 : i32
        %dma_start3A_305 = arith.constant 0 : i32
        %dma_start3A_306 = arith.constant 0 : i32
        %dma_start3A_307 = arith.constant 0 : i32
        %dma_start3A_308 = tpu.memref_slice %arg6[%dma_start3A_305, %dma_start3A_306, %dma_start3A_307] : memref<4x16x1024xf32, #tpu.memory_space<vmem>> -> memref<1x16x1024xf32, #tpu.memory_space<vmem>>
        %dma_start3A_309 = tpu.memref_squeeze %dma_start3A_308 : memref<1x16x1024xf32, #tpu.memory_space<vmem>> -> memref<16x1024xf32, #tpu.memory_space<vmem>>
        %dma_start3A_310 = tpu.memref_slice %arg5[%mul3A_304] : memref<1024xi32, #tpu.memory_space<vmem>> -> memref<16xi32, #tpu.memory_space<vmem>>
        %dma_start3A_311 = arith.constant 0 : i32
        %dma_start3A_312 = arith.constant 0 : i32
        %dma_start3A_313 = tpu.memref_slice %arg3[%dma_start3A_311, %dma_start3A_312] : memref<8192x1024xf32, #tpu.memory_space<hbm>> -> memref<8192x1024xf32, #tpu.memory_space<hbm>>
        tpu.enqueue_indirect_dma source(%dma_start3A_313 : memref<8192x1024xf32, #tpu.memory_space<hbm>>) target(%dma_start3A_309 : memref<16x1024xf32, #tpu.memory_space<vmem>>) offsets(%dma_start3A_310 : memref<16xi32, #tpu.memory_space<vmem>>) semaphore(%arg7 : memref<!tpu.dma_semaphore, #tpu.memory_space<semaphore_mem>>)
      } else {
      }
      %add3A_257 = arith.constant 3 : i32
      %add3A_258 = arith.addi %add3A_121, %add3A_257 : i32
      %mul3A_259 = arith.constant 16 : i32
      %mul3A_260 = arith.muli %add3A_258, %mul3A_259 : i32
      %dma_wait3A_261 = arith.constant 3 : i32
      %dma_wait3A_262 = arith.constant 0 : i32
      %dma_wait3A_263 = arith.constant 0 : i32
      %dma_wait3A_264 = tpu.memref_slice %arg6[%dma_wait3A_261, %dma_wait3A_262, %dma_wait3A_263] : memref<4x16x1024xf32, #tpu.memory_space<vmem>> -> memref<1x16x1024xf32, #tpu.memory_space<vmem>>
      %dma_wait3A_265 = tpu.memref_squeeze %dma_wait3A_264 : memref<1x16x1024xf32, #tpu.memory_space<vmem>> -> memref<16x1024xf32, #tpu.memory_space<vmem>>
      %dma_wait3A_266 = tpu.memref_slice %arg5[%mul3A_260] : memref<1024xi32, #tpu.memory_space<vmem>> -> memref<16xi32, #tpu.memory_space<vmem>>
      %dma_wait3A_267 = arith.constant 0 : i32
      %dma_wait3A_268 = arith.constant 0 : i32
      %dma_wait3A_269 = tpu.memref_slice %arg3[%dma_wait3A_267, %dma_wait3A_268] : memref<8192x1024xf32, #tpu.memory_space<hbm>> -> memref<8192x1024xf32, #tpu.memory_space<hbm>>
      tpu.wait_indirect_dma semaphore(%arg10 : memref<!tpu.dma_semaphore, #tpu.memory_space<semaphore_mem>>) src(%dma_wait3A_269 : memref<8192x1024xf32, #tpu.memory_space<hbm>>) dst(%dma_wait3A_265 : memref<16x1024xf32, #tpu.memory_space<vmem>>)
      %mul3A_270 = arith.constant 16 : i32
      %mul3A_271 = arith.muli %add3A_258, %mul3A_270 : i32
      %add3A_272 = arith.addi %mul3A_2, %mul3A_271 : i32
      %dma_start3A_273 = arith.constant 3 : i32
      %dma_start3A_274 = arith.constant 0 : i32
      %dma_start3A_275 = arith.constant 0 : i32
      %dma_start3A_276 = tpu.memref_slice %arg6[%dma_start3A_273, %dma_start3A_274, %dma_start3A_275] : memref<4x16x1024xf32, #tpu.memory_space<vmem>> -> memref<1x16x1024xf32, #tpu.memory_space<vmem>>
      %dma_start3A_277 = tpu.memref_squeeze %dma_start3A_276 : memref<1x16x1024xf32, #tpu.memory_space<vmem>> -> memref<16x1024xf32, #tpu.memory_space<vmem>>
      %dma_start3A_278 = arith.constant 0 : i32
      %dma_start3A_279 = tpu.memref_slice %arg4[%add3A_272, %dma_start3A_278] : memref<32768x1024xf32, #tpu.memory_space<hbm>> -> memref<16x1024xf32, #tpu.memory_space<hbm>>
      %dma_start3A_280 = arith.constant 0 : i32
      %dma_start3A_281 = tpu.memref_slice %arg4[%add3A_272, %dma_start3A_280] : memref<32768x1024xf32, #tpu.memory_space<hbm>> -> memref<16x1024xf32, #tpu.memory_space<hbm>>
      %dma_start3A_282 = arith.constant 0 : i32
      %dma_start3A_283 = arith.constant 0 : i32
      %dma_start3A_284 = tpu.memref_slice %arg6[%dma_start3A_273, %dma_start3A_282, %dma_start3A_283] : memref<4x16x1024xf32, #tpu.memory_space<vmem>> -> memref<1x16x1024xf32, #tpu.memory_space<vmem>>
      %dma_start3A_285 = tpu.memref_squeeze %dma_start3A_284 : memref<1x16x1024xf32, #tpu.memory_space<vmem>> -> memref<16x1024xf32, #tpu.memory_space<vmem>>
      tpu.enqueue_dma source(%dma_start3A_285 : memref<16x1024xf32, #tpu.memory_space<vmem>>) target(%dma_start3A_281 : memref<16x1024xf32, #tpu.memory_space<hbm>>) target_semaphore(%arg14 : memref<!tpu.dma_semaphore, #tpu.memory_space<semaphore_mem>>)
      %add3A_286 = arith.constant 2 : i32
      %add3A_287 = arith.addi %add3A_258, %add3A_286 : i32
      %sub3A_288 = arith.constant 4 : i32
      %sub3A_289 = arith.subi %add3A_287, %sub3A_288 : i32
      %ge3A_290 = arith.constant 0 : i32
      %ge3A_291 = arith.cmpi sge, %sub3A_289, %ge3A_290 : i32
      %lt3A_292 = arith.constant 64 : i32
      %lt3A_293 = arith.cmpi slt, %add3A_287, %lt3A_292 : i32
      %and3A_294 = arith.andi %ge3A_291, %lt3A_293 : i1
      %convert_element_type3A_295 = arith.extui %and3A_294 : i1 to i32
      %cond3A_296 = arith.constant 0 : i32
      %cond3A_297 = arith.cmpi ne, %convert_element_type3A_295, %cond3A_296 : i32
      scf.if %cond3A_297 {
        %sub3A_303 = arith.constant 4 : i32
        %sub3A_304 = arith.subi %add3A_287, %sub3A_303 : i32
        %mul3A_305 = arith.constant 16 : i32
        %mul3A_306 = arith.muli %sub3A_304, %mul3A_305 : i32
        %add3A_307 = arith.addi %mul3A_2, %mul3A_306 : i32
        %dma_wait3A_308 = arith.constant 1 : i32
        %dma_wait3A_309 = arith.constant 0 : i32
        %dma_wait3A_310 = arith.constant 0 : i32
        %dma_wait3A_311 = tpu.memref_slice %arg6[%dma_wait3A_308, %dma_wait3A_309, %dma_wait3A_310] : memref<4x16x1024xf32, #tpu.memory_space<vmem>> -> memref<1x16x1024xf32, #tpu.memory_space<vmem>>
        %dma_wait3A_312 = tpu.memref_squeeze %dma_wait3A_311 : memref<1x16x1024xf32, #tpu.memory_space<vmem>> -> memref<16x1024xf32, #tpu.memory_space<vmem>>
        %dma_wait3A_313 = arith.constant 0 : i32
        %dma_wait3A_314 = tpu.memref_slice %arg4[%add3A_307, %dma_wait3A_313] : memref<32768x1024xf32, #tpu.memory_space<hbm>> -> memref<16x1024xf32, #tpu.memory_space<hbm>>
        %dma_wait3A_315 = arith.constant 0 : i32
        %dma_wait3A_316 = tpu.memref_slice %arg4[%add3A_307, %dma_wait3A_315] : memref<32768x1024xf32, #tpu.memory_space<hbm>> -> memref<16x1024xf32, #tpu.memory_space<hbm>>
        %dma_wait3A_317 = arith.constant 0 : i32
        %dma_wait3A_318 = arith.constant 0 : i32
        %dma_wait3A_319 = tpu.memref_slice %arg6[%dma_wait3A_308, %dma_wait3A_317, %dma_wait3A_318] : memref<4x16x1024xf32, #tpu.memory_space<vmem>> -> memref<1x16x1024xf32, #tpu.memory_space<vmem>>
        %dma_wait3A_320 = tpu.memref_squeeze %dma_wait3A_319 : memref<1x16x1024xf32, #tpu.memory_space<vmem>> -> memref<16x1024xf32, #tpu.memory_space<vmem>>
        tpu.wait_dma2 semaphore(%arg12 : memref<!tpu.dma_semaphore, #tpu.memory_space<semaphore_mem>>) src(%dma_wait3A_320 : memref<16x1024xf32, #tpu.memory_space<vmem>>) dst(%dma_wait3A_316 : memref<16x1024xf32, #tpu.memory_space<hbm>>)
      } else {
      }
      %lt3A_298 = arith.constant 64 : i32
      %lt3A_299 = arith.cmpi slt, %add3A_287, %lt3A_298 : i32
      %convert_element_type3A_300 = arith.extui %lt3A_299 : i1 to i32
      %cond3A_301 = arith.constant 0 : i32
      %cond3A_302 = arith.cmpi ne, %convert_element_type3A_300, %cond3A_301 : i32
      scf.if %cond3A_302 {
        %mul3A_303 = arith.constant 16 : i32
        %mul3A_304 = arith.muli %add3A_287, %mul3A_303 : i32
        %dma_start3A_305 = arith.constant 1 : i32
        %dma_start3A_306 = arith.constant 0 : i32
        %dma_start3A_307 = arith.constant 0 : i32
        %dma_start3A_308 = tpu.memref_slice %arg6[%dma_start3A_305, %dma_start3A_306, %dma_start3A_307] : memref<4x16x1024xf32, #tpu.memory_space<vmem>> -> memref<1x16x1024xf32, #tpu.memory_space<vmem>>
        %dma_start3A_309 = tpu.memref_squeeze %dma_start3A_308 : memref<1x16x1024xf32, #tpu.memory_space<vmem>> -> memref<16x1024xf32, #tpu.memory_space<vmem>>
        %dma_start3A_310 = tpu.memref_slice %arg5[%mul3A_304] : memref<1024xi32, #tpu.memory_space<vmem>> -> memref<16xi32, #tpu.memory_space<vmem>>
        %dma_start3A_311 = arith.constant 0 : i32
        %dma_start3A_312 = arith.constant 0 : i32
        %dma_start3A_313 = tpu.memref_slice %arg3[%dma_start3A_311, %dma_start3A_312] : memref<8192x1024xf32, #tpu.memory_space<hbm>> -> memref<8192x1024xf32, #tpu.memory_space<hbm>>
        tpu.enqueue_indirect_dma source(%dma_start3A_313 : memref<8192x1024xf32, #tpu.memory_space<hbm>>) target(%dma_start3A_309 : memref<16x1024xf32, #tpu.memory_space<vmem>>) offsets(%dma_start3A_310 : memref<16xi32, #tpu.memory_space<vmem>>) semaphore(%arg8 : memref<!tpu.dma_semaphore, #tpu.memory_space<semaphore_mem>>)
      } else {
      }
    }
    %scan3A_57 = arith.constant 16 : i32
    %add3A_58 = arith.constant 960 : i32
    %add3A_59 = arith.addi %mul3A_2, %add3A_58 : i32
    %dma_wait3A = arith.constant 0 : i32
    %dma_wait3A_60 = arith.constant 0 : i32
    %dma_wait3A_61 = arith.constant 0 : i32
    %dma_wait3A_62 = tpu.memref_slice %arg6[%dma_wait3A, %dma_wait3A_60, %dma_wait3A_61] : memref<4x16x1024xf32, #tpu.memory_space<vmem>> -> memref<1x16x1024xf32, #tpu.memory_space<vmem>>
    %dma_wait3A_63 = tpu.memref_squeeze %dma_wait3A_62 : memref<1x16x1024xf32, #tpu.memory_space<vmem>> -> memref<16x1024xf32, #tpu.memory_space<vmem>>
    %dma_wait3A_64 = arith.constant 0 : i32
    %dma_wait3A_65 = tpu.memref_slice %arg4[%add3A_59, %dma_wait3A_64] : memref<32768x1024xf32, #tpu.memory_space<hbm>> -> memref<16x1024xf32, #tpu.memory_space<hbm>>
    %dma_wait3A_66 = arith.constant 0 : i32
    %dma_wait3A_67 = tpu.memref_slice %arg4[%add3A_59, %dma_wait3A_66] : memref<32768x1024xf32, #tpu.memory_space<hbm>> -> memref<16x1024xf32, #tpu.memory_space<hbm>>
    %dma_wait3A_68 = arith.constant 0 : i32
    %dma_wait3A_69 = arith.constant 0 : i32
    %dma_wait3A_70 = tpu.memref_slice %arg6[%dma_wait3A, %dma_wait3A_68, %dma_wait3A_69] : memref<4x16x1024xf32, #tpu.memory_space<vmem>> -> memref<1x16x1024xf32, #tpu.memory_space<vmem>>
    %dma_wait3A_71 = tpu.memref_squeeze %dma_wait3A_70 : memref<1x16x1024xf32, #tpu.memory_space<vmem>> -> memref<16x1024xf32, #tpu.memory_space<vmem>>
    tpu.wait_dma2 semaphore(%arg11 : memref<!tpu.dma_semaphore, #tpu.memory_space<semaphore_mem>>) src(%dma_wait3A_71 : memref<16x1024xf32, #tpu.memory_space<vmem>>) dst(%dma_wait3A_67 : memref<16x1024xf32, #tpu.memory_space<hbm>>)
    %add3A_72 = arith.constant 976 : i32
    %add3A_73 = arith.addi %mul3A_2, %add3A_72 : i32
    %dma_wait3A_74 = arith.constant 1 : i32
    %dma_wait3A_75 = arith.constant 0 : i32
    %dma_wait3A_76 = arith.constant 0 : i32
    %dma_wait3A_77 = tpu.memref_slice %arg6[%dma_wait3A_74, %dma_wait3A_75, %dma_wait3A_76] : memref<4x16x1024xf32, #tpu.memory_space<vmem>> -> memref<1x16x1024xf32, #tpu.memory_space<vmem>>
    %dma_wait3A_78 = tpu.memref_squeeze %dma_wait3A_77 : memref<1x16x1024xf32, #tpu.memory_space<vmem>> -> memref<16x1024xf32, #tpu.memory_space<vmem>>
    %dma_wait3A_79 = arith.constant 0 : i32
    %dma_wait3A_80 = tpu.memref_slice %arg4[%add3A_73, %dma_wait3A_79] : memref<32768x1024xf32, #tpu.memory_space<hbm>> -> memref<16x1024xf32, #tpu.memory_space<hbm>>
    %dma_wait3A_81 = arith.constant 0 : i32
    %dma_wait3A_82 = tpu.memref_slice %arg4[%add3A_73, %dma_wait3A_81] : memref<32768x1024xf32, #tpu.memory_space<hbm>> -> memref<16x1024xf32, #tpu.memory_space<hbm>>
    %dma_wait3A_83 = arith.constant 0 : i32
    %dma_wait3A_84 = arith.constant 0 : i32
    %dma_wait3A_85 = tpu.memref_slice %arg6[%dma_wait3A_74, %dma_wait3A_83, %dma_wait3A_84] : memref<4x16x1024xf32, #tpu.memory_space<vmem>> -> memref<1x16x1024xf32, #tpu.memory_space<vmem>>
    %dma_wait3A_86 = tpu.memref_squeeze %dma_wait3A_85 : memref<1x16x1024xf32, #tpu.memory_space<vmem>> -> memref<16x1024xf32, #tpu.memory_space<vmem>>
    tpu.wait_dma2 semaphore(%arg12 : memref<!tpu.dma_semaphore, #tpu.memory_space<semaphore_mem>>) src(%dma_wait3A_86 : memref<16x1024xf32, #tpu.memory_space<vmem>>) dst(%dma_wait3A_82 : memref<16x1024xf32, #tpu.memory_space<hbm>>)
    %add3A_87 = arith.constant 992 : i32
    %add3A_88 = arith.addi %mul3A_2, %add3A_87 : i32
    %dma_wait3A_89 = arith.constant 2 : i32
    %dma_wait3A_90 = arith.constant 0 : i32
    %dma_wait3A_91 = arith.constant 0 : i32
    %dma_wait3A_92 = tpu.memref_slice %arg6[%dma_wait3A_89, %dma_wait3A_90, %dma_wait3A_91] : memref<4x16x1024xf32, #tpu.memory_space<vmem>> -> memref<1x16x1024xf32, #tpu.memory_space<vmem>>
    %dma_wait3A_93 = tpu.memref_squeeze %dma_wait3A_92 : memref<1x16x1024xf32, #tpu.memory_space<vmem>> -> memref<16x1024xf32, #tpu.memory_space<vmem>>
    %dma_wait3A_94 = arith.constant 0 : i32
    %dma_wait3A_95 = tpu.memref_slice %arg4[%add3A_88, %dma_wait3A_94] : memref<32768x1024xf32, #tpu.memory_space<hbm>> -> memref<16x1024xf32, #tpu.memory_space<hbm>>
    %dma_wait3A_96 = arith.constant 0 : i32
    %dma_wait3A_97 = tpu.memref_slice %arg4[%add3A_88, %dma_wait3A_96] : memref<32768x1024xf32, #tpu.memory_space<hbm>> -> memref<16x1024xf32, #tpu.memory_space<hbm>>
    %dma_wait3A_98 = arith.constant 0 : i32
    %dma_wait3A_99 = arith.constant 0 : i32
    %dma_wait3A_100 = tpu.memref_slice %arg6[%dma_wait3A_89, %dma_wait3A_98, %dma_wait3A_99] : memref<4x16x1024xf32, #tpu.memory_space<vmem>> -> memref<1x16x1024xf32, #tpu.memory_space<vmem>>
    %dma_wait3A_101 = tpu.memref_squeeze %dma_wait3A_100 : memref<1x16x1024xf32, #tpu.memory_space<vmem>> -> memref<16x1024xf32, #tpu.memory_space<vmem>>
    tpu.wait_dma2 semaphore(%arg13 : memref<!tpu.dma_semaphore, #tpu.memory_space<semaphore_mem>>) src(%dma_wait3A_101 : memref<16x1024xf32, #tpu.memory_space<vmem>>) dst(%dma_wait3A_97 : memref<16x1024xf32, #tpu.memory_space<hbm>>)
    %add3A_102 = arith.constant 1008 : i32
    %add3A_103 = arith.addi %mul3A_2, %add3A_102 : i32
    %dma_wait3A_104 = arith.constant 3 : i32
    %dma_wait3A_105 = arith.constant 0 : i32
    %dma_wait3A_106 = arith.constant 0 : i32
    %dma_wait3A_107 = tpu.memref_slice %arg6[%dma_wait3A_104, %dma_wait3A_105, %dma_wait3A_106] : memref<4x16x1024xf32, #tpu.memory_space<vmem>> -> memref<1x16x1024xf32, #tpu.memory_space<vmem>>
    %dma_wait3A_108 = tpu.memref_squeeze %dma_wait3A_107 : memref<1x16x1024xf32, #tpu.memory_space<vmem>> -> memref<16x1024xf32, #tpu.memory_space<vmem>>
    %dma_wait3A_109 = arith.constant 0 : i32
    %dma_wait3A_110 = tpu.memref_slice %arg4[%add3A_103, %dma_wait3A_109] : memref<32768x1024xf32, #tpu.memory_space<hbm>> -> memref<16x1024xf32, #tpu.memory_space<hbm>>
    %dma_wait3A_111 = arith.constant 0 : i32
    %dma_wait3A_112 = tpu.memref_slice %arg4[%add3A_103, %dma_wait3A_111] : memref<32768x1024xf32, #tpu.memory_space<hbm>> -> memref<16x1024xf32, #tpu.memory_space<hbm>>
    %dma_wait3A_113 = arith.constant 0 : i32
    %dma_wait3A_114 = arith.constant 0 : i32
    %dma_wait3A_115 = tpu.memref_slice %arg6[%dma_wait3A_104, %dma_wait3A_113, %dma_wait3A_114] : memref<4x16x1024xf32, #tpu.memory_space<vmem>> -> memref<1x16x1024xf32, #tpu.memory_space<vmem>>
    %dma_wait3A_116 = tpu.memref_squeeze %dma_wait3A_115 : memref<1x16x1024xf32, #tpu.memory_space<vmem>> -> memref<16x1024xf32, #tpu.memory_space<vmem>>
    tpu.wait_dma2 semaphore(%arg14 : memref<!tpu.dma_semaphore, #tpu.memory_space<semaphore_mem>>) src(%dma_wait3A_116 : memref<16x1024xf32, #tpu.memory_space<vmem>>) dst(%dma_wait3A_112 : memref<16x1024xf32, #tpu.memory_space<hbm>>)
    return
  }
}

</mosaic_0001>

<sc_bundles>
// kernel: kernel.3.cloned.1.call-start
scs
__scs_entry_jumppad:
0x0: {  	(pc) =	sbr.rel $0x88, $3  }
0x1: {  	(tag) =	ssettag $0x0;
	lr =	simm.s32 $0x1  }
0x2: {  	[smem:$0x3F9F] =	sst lr;
	_ =	strace $0xD0000000  }
0x3: {  	_ = 	snop  }
0x4: {  	_ = 	snop  }
0x5: {  	_ = 	snop  }
0x6: {  	_ = 	snop  }
0x7: {  	_ = 	snop  }
__scs_overlays_trampoline_lowered:
0x8: {  	[smem:$0x3FAE] =	sst s0  }
0x9: {  	[smem:$0x3FAF] =	sst s1  }
0xa: {  	[smem:$0x3FB0] =	sst s2  }
0xb: {  	[smem:$0x3FB1] =	sst s3  }
0xc: {  	[smem:$0x3FB2] =	sst s4  }
0xd: {  	[smem:$0x3FB3] =	sst s5  }
0xe: {  	[smem:$0x3FB4] =	sst s6  }
0xf: {  	[smem:$0x3FB5] =	sst s7  }
0x10: {  	[smem:$0x3FB6] =	sst s8  }
0x11: {  	[smem:$0x3FB7] =	sst s9;
	s0 =	simm.s32 @!p0 $0x0  }
0x12: {  	s1 =	sld [smem:$0x3F9D];
	s0 =	simm.s32 @p0 $0x1  }
0x13: {  	[smem:$0x3FB8] =	sst s0;
	s0 =	simm.s32 @!p1 $0x0  }
0x14: {  	s2 =	sld [smem:$0x3F9C];
	s0 =	simm.s32 @p1 $0x1  }
0x15: {  	[smem:$0x3FB9] =	sst s0;
	s0 =	simm.s32 @!p2 $0x0  }
0x16: {  	s3 =	sld [smem:$0x3FDB];
	s0 =	simm.s32 @p2 $0x1  }
0x17: {  	s4 =	simm.s32 $0x1BF5;
	[smem:$0x3FBB] =	sst s0  }
0x18: {  	s0 =	sld [smem:$0x3F9E];
	_ =	swait.ge [sflag:s4], $0x0  }
0x19: {  	s7 =	sld [smem:$0x3F9F]  }
0x1a: {  	s8 =	sadd.s32 $0xFFFFE003, lr  }
0x1b: {  	s9 =	sadd.s32 $0xFFFFFEF7, lr;
	s5 =	simm.s32 $0xFFFFFFFF;
	p2 =	slt.u32 s8, $0xFFFFF086  }
0x1c: {  	p1 =	slt.u32 s9, $0xF7A;
	s5 =	simm.s32 @!p2 $0x0  }
0x1d: {  	s5 =	simm.s32 @p1 $0x1;
	p0 =	seq.s32 s7, s2  }
0x1e: {  	s7 =	smul.u32 @!p0 $0xF7A, s2;
	p2 =	seq.s32 @!p0 s5, $0x0  }
0x1f: {  	s9 =	smul.u32 $0xF7A, s1;
	s8 =	simm.s32 @!p0 $0x1BF5;
	p2 =	por !p2, p0  }
0x20: {  	[sflag:s8] =	ssyncset.s32 @!p0 $0xFFFFF086;
	s6 =	sadd.s32 @!p0 s3, s7;
	s7 =	simm.s32 @!p0 $0x108  }
0x21: {  	s3 =	sadd.s32 s3, s9;
	s6 =	sadd.s32 @!p0 $0x88, s6;
	s7 =	simm.s32 @p2 $0x1082  }
0x22: {  	[simem:s7], [sflag:s8] =	dma.local @!p0 [hbm:s6], $0xF7A  }
0x23: {  	s9 =	sor.u32 $0xD0000000, s2;
	s6 =	simm.s32 $0x108;
	_ =	swait.ge @!p0 [sflag:s8], $0x0  }
0x24: {  	s3 =	sadd.s32 $0x88, s3;
	s6 =	simm.s32 @!p1 $0x1082;
	[sflag:s4] =	ssyncset.s32 $0xFFFFF086  }
0x25: {  	[simem:s6], [sflag:s4] =	dma.local [hbm:s3], $0xF7A  }
0x26: {  	[smem:$0x3F9F] =	sst s1;
	(tag) =	ssettag s2;
	_ =	strace s9  }
0x27: {  	s1 =	sld [smem:$0x3FAF]  }
0x28: {  	s2 =	sld [smem:$0x3FB0]  }
0x29: {  	s4 =	sld [smem:$0x3FB2]  }
0x2a: {  	p0 =	seq.s32 s5, $0x0;
	s5 =	sld [smem:$0x3FB3]  }
0x2b: {  	s6 =	sld [smem:$0x3FB4]  }
0x2c: {  	s7 =	sld [smem:$0x3FB5]  }
0x2d: {  	s3 =	simm.s32 $0x108;
	s8 =	sld [smem:$0x3FB6]  }
0x2e: {  	s3 =	simm.s32 @!p0 $0x1082;
	s9 =	sld [smem:$0x3FB7]  }
0x2f: {  	lr =	sadd.s32 s0, s3;
	s0 =	sld [smem:$0x3FAE]  }
0x30: {  	s3 =	sld [smem:$0x3FB1]  }
0x31: {  	[smem:$0x3FBA] =	sst s10  }
0x32: {  	s10 =	sld [smem:$0x3FB8];
	_ =	sdelay $0x3  }
0x33: {  	p0 =	seq.s32 s10, $0x1;
	s10 =	sld [smem:$0x3FBA];
	_ =	sdelay $0x3  }
0x34: {  	[smem:$0x3FBA] =	sst s10  }
0x35: {  	s10 =	sld [smem:$0x3FB9];
	_ =	sdelay $0x3  }
0x36: {  	p1 =	seq.s32 s10, $0x1;
	s10 =	sld [smem:$0x3FBA];
	_ =	sdelay $0x3  }
0x37: {  	[smem:$0x3FBA] =	sst s10  }
0x38: {  	s10 =	sld [smem:$0x3FBB]  }
0x39: {  	_ = 	snop;
	(pc) =	sbr.ind lr, $3  }
0x3a: {  	_ = 	snop  }
0x3b: {  	_ = 	snop  }
0x3c: {  	p2 =	seq.s32 s10, $0x1;
	s10 =	sld [smem:$0x3FBA]  }
0x3d: {  	_ =	shalt  }
0x3e: {  	_ =	shalt  }
0x3f: {  	_ =	shalt  }
0x40: {  	_ =	shalt  }
0x41: {  	_ =	shalt  }
0x42: {  	_ =	shalt  }
0x43: {  	_ =	shalt  }
0x44: {  	_ =	shalt  }
0x45: {  	_ =	shalt  }
0x46: {  	_ =	shalt  }
0x47: {  	_ =	shalt  }
0x48: {  	_ =	shalt  }
0x49: {  	_ =	shalt  }
0x4a: {  	_ =	shalt  }
0x4b: {  	_ =	shalt  }
0x4c: {  	_ =	shalt  }
0x4d: {  	_ =	shalt  }
0x4e: {  	_ =	shalt  }
0x4f: {  	_ =	shalt  }
0x50: {  	_ =	shalt  }
0x51: {  	_ =	shalt  }
0x52: {  	_ =	shalt  }
0x53: {  	_ =	shalt  }
0x54: {  	_ =	shalt  }
0x55: {  	_ =	shalt  }
0x56: {  	_ =	shalt  }
0x57: {  	_ =	shalt  }
0x58: {  	_ =	shalt  }
0x59: {  	_ =	shalt  }
0x5a: {  	_ =	shalt  }
0x5b: {  	_ =	shalt  }
0x5c: {  	_ =	shalt  }
0x5d: {  	_ =	shalt  }
0x5e: {  	_ =	shalt  }
0x5f: {  	_ =	shalt  }
0x60: {  	_ =	shalt  }
0x61: {  	_ =	shalt  }
0x62: {  	_ =	shalt  }
0x63: {  	_ =	shalt  }
0x64: {  	_ =	shalt  }
0x65: {  	_ =	shalt  }
0x66: {  	_ =	shalt  }
0x67: {  	_ =	shalt  }
0x68: {  	_ =	shalt  }
0x69: {  	_ =	shalt  }
0x6a: {  	_ =	shalt  }
0x6b: {  	_ =	shalt  }
0x6c: {  	_ =	shalt  }
0x6d: {  	_ =	shalt  }
0x6e: {  	_ =	shalt  }
0x6f: {  	_ =	shalt  }
0x70: {  	_ =	shalt  }
0x71: {  	_ =	shalt  }
0x72: {  	_ =	shalt  }
0x73: {  	_ =	shalt  }
0x74: {  	_ =	shalt  }
0x75: {  	_ =	shalt  }
0x76: {  	_ =	shalt  }
0x77: {  	_ =	shalt  }
0x78: {  	_ =	shalt  }
0x79: {  	_ =	shalt  }
0x7a: {  	_ =	shalt  }
0x7b: {  	_ =	shalt  }
0x7c: {  	_ =	shalt  }
0x7d: {  	_ =	shalt  }
0x7e: {  	_ =	shalt  }
0x7f: {  	_ =	shalt  }
0x80: {  	_ =	shalt  }
0x81: {  	_ =	shalt  }
0x82: {  	_ =	shalt  }
0x83: {  	_ =	shalt  }
0x84: {  	_ =	shalt  }
0x85: {  	_ =	shalt  }
0x86: {  	_ =	shalt  }
0x87: {  	_ =	shalt  }
.Lfunc_end0:
.L_simem_size_0:
called_computation_lowered:
.L_overlay_start_0:
0x88: {  	s2 =	sld [smem:$0x3FD9]  }
0x89: {  	s3 =	sld [smem:$0x3FFE];
	_ =	sdelay $0x1  }
0x8a: {  	s1 =	srdreg.scid  }
0x8b: {  	s0 =	sand.u32 $0x1, s1  }
0x8c: {  	s18 =	sshll.u32 s0, $0xA;
	s2 =	sadd.s32 s3, s2  }
0x8d: {  	s2 =	sadd.s32 s2, s18  }
0x8e: {  	[smem:$0x3FC6] =	sst s2  }
0x8f: {  	_ = 	snop  }
0x90: {  	s2 =	sld [smem:$0x3FC9]  }
0x91: {  	s19 =	sld [smem:$0x3FC8]  }
0x92: {  	s4 =	sld [smem:$0x3FD0];
	(tm) =	ssettm $0x1  }
0x93: {  	s5 =	sld [smem:$0x3FFB];
	_ =	sdelay $0x3  }
0x94: {  	_ =	strace s5  }
0x95: {  	s5 =	sld [smem:$0x3FFC];
	_ =	sdelay $0x3  }
0x96: {  	_ =	strace s5  }
0x97: {  	s5 =	sld [smem:$0x3FFD];
	_ =	sdelay $0x3  }
0x98: {  	_ =	strace s5  }
0x99: {  	_ =	strace $0x8FFFFFFF  }
0x9a: {  	s20 =	sld [smem:$0x3FDB];
	_ =	sdelay $0x1  }
0x9b: {  	s6 =	simm.s32 $_scs_section_size  }
0x9c: {  	s7 =	simm.s32 $_size__tile_overlayer_lowered;
	s8 =	simm.s32 $_tile_overlayer_lowered  }
0x9d: {  	s23 =	simm.s32 $0x1BFF;
	s22 =	sshll.u32 s8, $0x1;
	s5 =	sadd.s32 s6, s20  }
0x9e: {  	s9 =	simm.s32 $0x0;
	s21 =	sshll.u32 s7, $0x1;
	s7 =	sadd.s32 s22, s5  }
0x9f: {  	[timem:s9], [sflag:s23] =	dma.local [hbm:s7], s21  }
0xa0: {  	_ =	swait.ge [sflag:s23], s21  }
0xa1: {  	s6 =	ssub.s32 $0x0, s21;
	[sflag:s23] =	ssyncset.done $0x0  }
0xa2: {  	[sflag:s23] =	ssyncadd.s32 s6;
	_ =	sdelay $0x1  }
0xa3: {  	s24 =	simm.s32 $0x1B8B  }
0xa4: {  	_ =	swait.ge [sflag:s24], $0x1  }
0xa5: {  	[sflag:s24] =	ssyncset.done $0x0  }
0xa6: {  	s25 =	simm.s32 $0x1B8E;
	[sflag:s24] =	ssyncadd.s32 $0xFFFFFFFF  }
0xa7: {  	s26 =	simm.s32 $execute0_lowered;
	[smem:$0x3FD2] =	sst s25  }
0xa8: {  	s6 =	sshll.u32 s26, $0x1;
	_ =	strace $0x80000046;
	[dreg:$0x1] =	wrdreg $0xFFFFFFFF  }
0xa9: {  	s28 =	simm.s32 $_size_execute0_lowered;
	s5 =	sadd.s32 s5, s6;
	[dreg:$0x0] =	wrdreg $0x0  }
0xaa: {  	s6 =	sshll.u32 s28, $0x1;
	[dreg:$0x2] =	wrdreg s5  }
0xab: {  	[dreg:$0x3] =	wrdreg s6  }
0xac: {  	[dreg:$0x4] =	wrdreg $0xC0  }
0xad: {  	_ =	task [dreg:s9], $0x5FFFF  }
0xae: {  	[dreg:$0x1] =	wrdreg $0xFFFFFFFF  }
0xaf: {  	[dreg:$0x0] =	wrdreg $0x60  }
0xb0: {  	[dreg:$0x2] =	wrdreg s2  }
0xb1: {  	[dreg:$0x3] =	wrdreg s19  }
0xb2: {  	[dreg:$0x4] =	wrdreg s4  }
0xb3: {  	[dreg:$0x5] =	wrdreg $0x9  }
0xb4: {  	_ =	task.clear_ibuf [dreg:s9], $0x6FFFF;
	_ =	strace $0x90000046  }
0xb5: {  	s29 =	simm.s32 $0x9;
	_ =	strace $0x80000048  }
0xb6: {  	_ =	swait.ge [sflag:s29], $0x1  }
0xb7: {  	[sflag:s29] =	ssyncadd.s32 $0xFFFFFFFF  }
0xb8: {  	_ =	strace $0x90000048  }
0xb9: {  	_ =	sfence  }
0xba: {  	s30 =	sld [smem:$0x0];
	_ =	sdelay $0x2  }
0xbb: {  	s31 =	sshll.u32 s1, $0xD;
	s1 =	sshrl.u32 s1, $0x2  }
0xbc: {  	s3 =	sand.u32 $0x4000, s31;
	s1 =	sadd.s32 s1, s30  }
0xbd: {  	s0 =	sor.u32 s3, s0;
	s1 =	sshll.u32 s1, $0x11  }
0xbe: {  	s0 =	sor.u32 s1, s0  }
0xbf: {  	s0 =	sadd.s32 $0x8F2B, s0  }
0xc0: {  	[sflag:s0] =	ssyncadd.remote.s32 $0x1  }
0xc1: {  	_ =	sfence.sel $0xFFFF  }
0xc2: {  	[dreg:$0x0] =	wrdreg $0xFFFFFFFF;
	(pc) =	sbr.abs _section_cstart, $3  }
0xc3: {  	[dreg:$0x1] =	wrdreg $0xFFFFFFFF  }
0xc4: {  	_ =	task.clear_ibuf [dreg:s9], $0x2FFFF;
	_ =	strace $0x9FFFFFFF  }
0xc5: {  	(tm) =	ssettm $0x7FFFFFFF  }
tec
execute0_lowered:
.L_overlay_start_1:
0x0: {  	(tag) =	ssettag $0x1  }
0x1: {  	s0 =	rddreg [dreg:$0x0]  }
0x2: {  	s1 =	rddreg [dreg:$0x1]  }
0x3: {  	s2 =	rddreg [dreg:$0x2]  }
0x4: {  	s3 =	simm.s32 $0x0;
	s4 =	srdreg.scid;
	s10 =	stileid.u32  }
0x5: {  	s14 =	simm.s32 $0x400;
	s31 =	simm.s32 $0x1;
	s13 =	simm.s32 $0xBC00  }
0x6: {  	s15 =	simm.s32 $0x2;
	s16 =	simm.s32 $0xC400;
	s17 =	simm.s32 $0xCC00  }
0x7: {  	s18 =	simm.s32 $0xD400;
	s19 =	simm.s32 $0xDC00;
	s20 =	simm.s32 $0xE400  }
0x8: {  	s21 =	simm.s32 $0xEC00;
	s28 =	simm.s32 $0x5;
	s29 =	simm.s32 $0x6  }
0x9: {  	s12 =	simm.s32 $0x0;
	[smem:$0x7FF] =	sst s3;
	s4 =	sand.u32 $0x1, s4  }
0xa: {  	s5 =	sshll.u32 s10, $0x1;
	s6 =	sshll.u32 s10, $0x2;
	s26 =	sshll.u32 s10, $0x12  }
0xb: {  	_ =	strace $0x80000047;
	s5 =	sor.u32 s4, s5;
	s7 =	ssub.s32 $0x2, s4  }
0xc: {  	s6 =	sand.u32 $0x30, s6;
	s30 =	sshll.u32 s4, $0x11;
	s4 =	simm.s32 $0xA400  }
0xd: {  	s8 =	sshll.u32 s5, $0x9;
	s9 =	sshrl.u32 s7, $0x1;
	s0 =	sadd.s32 s0, s6  }
0xe: {  	s24 =	sshll.u32 s5, $0x11;
	s5 =	sadd.s32 $0x100, s1;
	s6 =	sadd.s32 $0x200, s1  }
0xf: {  	s22 =	sand.u32 $0xE00, s8;
	s23 =	ssub.s32 s7, s9;
	s25 =	sadd.s32 s24, s2  }
0x10: {  	s7 =	sadd.s32 $0x300, s1;
	s9 =	simm.s32 $0xB400;
	s24 =	simm.s32 $0xFC00  }
.Ltmp0:
0x11: {  	s0 =	sadd.s32 s22, s0;
	s8 =	smax.u32 s23, $0x1;
	(pc) =	sbr.rel .LBB2_1-.Ltmp0, $4  }
0x12: {  	s22 =	simm.s32 $0x4400;
	s23 =	simm.s32 $0xF400;
	[dreg:$0x4] =	wrdreg s0  }
0x13: {  	v2 =	vlaneseq.u32;
	s0 =	sadd.s32 $0x1F800, s25;
	[dreg:$0x6] =	wrdreg s8;
	s8 =	simm.s32 $0xAC00  }
0x14: {  	vm0 =	vmmov $0xffff;
	v1 =	vshrl.u32 v2, $0x3;
	s25 =	simm.s32 $0x3;
	[dreg:$0x5] =	wrdreg s0;
	s0 =	sadd.s32 s26, s2  }
0x15: {  	v0 =	vand.u32 $0x7, v2;
	v2 =	vor.u32 $0x8, v2;
	v1 =	vmul.u32 $0x8, v1;
	s26 =	simm.s32 $0x4;
	s10 =	sadd.s32 s30, s0;
	s0 =	simm.s32 $0x8400  }
.LBB2_4:
0x16: {  	_ =	swait.ge [sflag:s26], $0x4000  }
0x17: {  	[sflag:s26] =	ssyncset.done $0x0  }
0x18: {  	s2 =	rddreg [dreg:$0x5];
	[sflag:s26] =	ssyncadd.s32 $0xFFFFC000  }
0x19: {  	[hbm4b:s2+s3] =	stream.linear.scatter [tilespmem:s16], [sflag:$0x8], $0x4000, $0x38;
	[tilespmem:$0x10400] =	vst v63  }
0x1a: {  	_ =	swait.ge [sflag:s28], $0x4000  }
0x1b: {  	[sflag:s28] =	ssyncset.done $0x0  }
0x1c: {  	[sflag:s28] =	ssyncadd.s32 $0xFFFFC000  }
0x1d: {  	_ =	swait.ge [sflag:s29], $0x4000  }
0x1e: {  	[sflag:s29] =	ssyncset.done $0x0  }
0x1f: {  	s12 =	simm.s32 $0x7;
	[sflag:s29] =	ssyncadd.s32 $0xFFFFC000  }
0x20: {  	_ =	swait.ge [sflag:s12], $0x4000  }
0x21: {  	[sflag:s12] =	ssyncset.done $0x0  }
0x22: {  	s11 =	simm.s32 $0x8;
	[sflag:s12] =	ssyncadd.s32 $0xFFFFC000  }
0x23: {  	_ =	swait.ge [sflag:s11], $0x4000  }
0x24: {  	s12 =	rddreg [dreg:$0x7]  }
0x25: {  	s30 =	rddreg [dreg:$0x6];
	s12 =	sadd.s32 $0x1, s12  }
0x26: {  	p0 =	sne.s32 s12, s30  }
.Ltmp1:
0x27: {  	_ = 	snop;
	(pc) =	sbr.rel @!p0 .LBB2_5-.Ltmp1, $3  }
0x28: {  	_ =	sdelay $0x1  }
0x29: {  	[sflag:s11] =	ssyncset.done $0x0  }
0x2a: {  	[sflag:s11] =	ssyncadd.s32 $0xFFFFC000  }
.LBB2_1:
0x2b: {  	[dreg:$0x7] =	wrdreg s12  }
0x2c: {  	s2 =	rddreg [dreg:$0x4];
	s11 =	simm.s32 $0x80;
	s12 =	simm.s32 $0x200  }
0x2d: {  	[tilespmem:s3], [sflag:$0x9] =	stream.strided.gather [hbm4b:s2+s11], $0x400, s12, s11, $0x38;
	[tilespmem:$0x10400] =	vst v63  }
0x2e: {  	s12 =	simm.s32 $0x9  }
0x2f: {  	_ =	swait.ge [sflag:s12], $0x400  }
0x30: {  	[sflag:s12] =	ssyncset.done $0x0  }
0x31: {  	[sflag:s12] =	ssyncadd.s32 $0xFFFFFC00  }
0x32: {  	v3 =	vld [tilespmem:$0x0];
	_ =	sdelay $0x4  }
0x33: {  	v4 =	vshll.u32 v3, $0x3  }
0x34: {  	v3 =	vand.u32 $0x7, v3;
	v4 =	vand.u32 $0xFFFFFFC0, v4  }
0x35: {  	v3 =	vor.u32 v3, v4  }
0x36: {  	v4 =	vperm.xlane v3, v0;
	_ =	sdelay $0x1  }
0x37: {  	v4 =	vadd.s32 v1, v4;
	_ =	sdelay $0x4  }
0x38: {  	[tilespmem:s14], [sflag:$0x1] =	stream.indirect_vreg.gather [hbm4b:s1+s3], $0x80, v4, vm0, $0xb8;
	[tilespmem:$0x10400] =	vst v63  }
0x39: {  	s11 =	simm.s32 $0xC00;
	v3 =	vperm.xlane v3, v2  }
0x3a: {  	[tilespmem:s11], [sflag:$0x1] =	stream.indirect_vreg.gather [hbm4b:s5+s3], $0x80, v4, vm0, $0xb8;
	[tilespmem:$0x10400] =	vst v63  }
0x3b: {  	s12 =	simm.s32 $0x1400;
	v3 =	vadd.s32 v1, v3  }
0x3c: {  	[tilespmem:s12], [sflag:$0x1] =	stream.indirect_vreg.gather [hbm4b:s6+s3], $0x80, v4, vm0, $0xb8;
	[tilespmem:$0x10400] =	vst v63  }
0x3d: {  	s11 =	simm.s32 $0x1C00  }
0x3e: {  	[tilespmem:s11], [sflag:$0x1] =	stream.indirect_vreg.gather [hbm4b:s7+s3], $0x80, v4, vm0, $0xb8;
	[tilespmem:$0x10400] =	vst v63  }
0x3f: {  	s12 =	simm.s32 $0x2400  }
0x40: {  	[tilespmem:s12], [sflag:$0x1] =	stream.indirect_vreg.gather [hbm4b:s1+s3], $0x80, v3, vm0, $0xb8;
	[tilespmem:$0x10400] =	vst v63  }
0x41: {  	s11 =	simm.s32 $0x2C00  }
0x42: {  	[tilespmem:s11], [sflag:$0x1] =	stream.indirect_vreg.gather [hbm4b:s5+s3], $0x80, v3, vm0, $0xb8;
	[tilespmem:$0x10400] =	vst v63  }
0x43: {  	s12 =	simm.s32 $0x3400  }
0x44: {  	[tilespmem:s12], [sflag:$0x1] =	stream.indirect_vreg.gather [hbm4b:s6+s3], $0x80, v3, vm0, $0xb8;
	[tilespmem:$0x10400] =	vst v63  }
0x45: {  	s11 =	simm.s32 $0x3C00  }
0x46: {  	[tilespmem:s11], [sflag:$0x1] =	stream.indirect_vreg.gather [hbm4b:s7+s3], $0x80, v3, vm0, $0xb8;
	[tilespmem:$0x10400] =	vst v63  }
0x47: {  	v3 =	vld [tilespmem:$0x10];
	_ =	sdelay $0x4  }
0x48: {  	v63 =	vshll.u32 v3, $0x3  }
0x49: {  	v3 =	vand.u32 $0x7, v3;
	v4 =	vand.u32 $0xFFFFFFC0, v63  }
0x4a: {  	v3 =	vor.u32 v3, v4  }
0x4b: {  	v4 =	vperm.xlane v3, v0;
	_ =	sdelay $0x1  }
0x4c: {  	v4 =	vadd.s32 v1, v4;
	_ =	sdelay $0x4  }
0x4d: {  	[tilespmem:s22], [sflag:$0x2] =	stream.indirect_vreg.gather [hbm4b:s1+s3], $0x80, v4, vm0, $0xb8;
	[tilespmem:$0x10400] =	vst v63  }
0x4e: {  	s12 =	simm.s32 $0x4C00;
	v3 =	vperm.xlane v3, v2  }
0x4f: {  	[tilespmem:s12], [sflag:$0x2] =	stream.indirect_vreg.gather [hbm4b:s5+s3], $0x80, v4, vm0, $0xb8;
	[tilespmem:$0x10400] =	vst v63  }
0x50: {  	s11 =	simm.s32 $0x5400;
	v3 =	vadd.s32 v1, v3  }
0x51: {  	[tilespmem:s11], [sflag:$0x2] =	stream.indirect_vreg.gather [hbm4b:s6+s3], $0x80, v4, vm0, $0xb8;
	[tilespmem:$0x10400] =	vst v63  }
0x52: {  	s12 =	simm.s32 $0x5C00  }
0x53: {  	[tilespmem:s12], [sflag:$0x2] =	stream.indirect_vreg.gather [hbm4b:s7+s3], $0x80, v4, vm0, $0xb8;
	[tilespmem:$0x10400] =	vst v63  }
0x54: {  	s11 =	simm.s32 $0x6400  }
0x55: {  	[tilespmem:s11], [sflag:$0x2] =	stream.indirect_vreg.gather [hbm4b:s1+s3], $0x80, v3, vm0, $0xb8;
	[tilespmem:$0x10400] =	vst v63  }
0x56: {  	s12 =	simm.s32 $0x6C00  }
0x57: {  	[tilespmem:s12], [sflag:$0x2] =	stream.indirect_vreg.gather [hbm4b:s5+s3], $0x80, v3, vm0, $0xb8;
	[tilespmem:$0x10400] =	vst v63  }
0x58: {  	s11 =	simm.s32 $0x7400  }
0x59: {  	[tilespmem:s11], [sflag:$0x2] =	stream.indirect_vreg.gather [hbm4b:s6+s3], $0x80, v3, vm0, $0xb8;
	[tilespmem:$0x10400] =	vst v63  }
0x5a: {  	s30 =	simm.s32 $0x30;
	s2 =	simm.s32 $0x0;
	s12 =	simm.s32 $0x7C00  }
0x5b: {  	[tilespmem:s12], [sflag:$0x2] =	stream.indirect_vreg.gather [hbm4b:s7+s3], $0x80, v3, vm0, $0xb8;
	[tilespmem:$0x10400] =	vst v63  }
.LBB2_2:
0x5c: {  	_ =	swait.ge [sflag:s31], $0x4000  }
0x5d: {  	p0 =	seq.s32 s2, $0x0;
	[sflag:s31] =	ssyncset.done $0x0  }
0x5e: {  	s11 =	sadd.s32 s2, s10;
	s12 =	simm.s32 @!p0 $0x7;
	[sflag:s31] =	ssyncadd.s32 $0xFFFFC000  }
0x5f: {  	[hbm4b:s11+s3] =	stream.linear.scatter [tilespmem:s14], [sflag:$0x5], $0x4000, $0x38;
	[tilespmem:$0x10400] =	vst v63  }
0x60: {  	_ =	swait.ge @!p0 [sflag:s12], $0x4000  }
0x61: {  	[sflag:s12] =	ssyncset.done @!p0 $0x0  }
0x62: {  	[sflag:s12] =	ssyncadd.s32 @!p0 $0xFFFFC000  }
0x63: {  	v3 =	vld [tilespmem:s30+$0xFFFFFFF0];
	_ =	sdelay $0x4  }
0x64: {  	v4 =	vshll.u32 v3, $0x3  }
0x65: {  	v3 =	vand.u32 $0x7, v3;
	v4 =	vand.u32 $0xFFFFFFC0, v4  }
0x66: {  	v3 =	vor.u32 v3, v4  }
0x67: {  	v4 =	vperm.xlane v3, v0;
	_ =	sdelay $0x1  }
0x68: {  	v4 =	vadd.s32 v1, v4;
	_ =	sdelay $0x4  }
0x69: {  	[tilespmem:s0], [sflag:$0x3] =	stream.indirect_vreg.gather [hbm4b:s1+s3], $0x80, v4, vm0, $0xb8;
	[tilespmem:$0x10400] =	vst v63  }
0x6a: {  	s12 =	simm.s32 $0x8C00;
	v3 =	vperm.xlane v3, v2  }
0x6b: {  	[tilespmem:s12], [sflag:$0x3] =	stream.indirect_vreg.gather [hbm4b:s5+s3], $0x80, v4, vm0, $0xb8;
	[tilespmem:$0x10400] =	vst v63  }
0x6c: {  	v3 =	vadd.s32 v1, v3;
	s12 =	simm.s32 $0x9400  }
0x6d: {  	[tilespmem:s12], [sflag:$0x3] =	stream.indirect_vreg.gather [hbm4b:s6+s3], $0x80, v4, vm0, $0xb8;
	[tilespmem:$0x10400] =	vst v63  }
0x6e: {  	s12 =	simm.s32 $0x9C00  }
0x6f: {  	[tilespmem:s12], [sflag:$0x3] =	stream.indirect_vreg.gather [hbm4b:s7+s3], $0x80, v4, vm0, $0xb8;
	[tilespmem:$0x10400] =	vst v63  }
0x70: {  	_ = 	snop  }
0x71: {  	[tilespmem:s4], [sflag:$0x3] =	stream.indirect_vreg.gather [hbm4b:s1+s3], $0x80, v3, vm0, $0xb8;
	[tilespmem:$0x10400] =	vst v63  }
0x72: {  	_ = 	snop  }
0x73: {  	[tilespmem:s8], [sflag:$0x3] =	stream.indirect_vreg.gather [hbm4b:s5+s3], $0x80, v3, vm0, $0xb8;
	[tilespmem:$0x10400] =	vst v63  }
0x74: {  	_ = 	snop  }
0x75: {  	[tilespmem:s9], [sflag:$0x3] =	stream.indirect_vreg.gather [hbm4b:s6+s3], $0x80, v3, vm0, $0xb8;
	[tilespmem:$0x10400] =	vst v63  }
0x76: {  	_ = 	snop  }
0x77: {  	[tilespmem:s13], [sflag:$0x3] =	stream.indirect_vreg.gather [hbm4b:s7+s3], $0x80, v3, vm0, $0xb8;
	[tilespmem:$0x10400] =	vst v63  }
0x78: {  	_ =	swait.ge [sflag:s15], $0x4000  }
0x79: {  	[sflag:s15] =	ssyncset.done $0x0  }
0x7a: {  	s12 =	sadd.s32 $0x800, s11;
	[sflag:s15] =	ssyncadd.s32 $0xFFFFC000  }
0x7b: {  	[hbm4b:s12+s3] =	stream.linear.scatter [tilespmem:s22], [sflag:$0x6], $0x4000, $0x38;
	[tilespmem:$0x10400] =	vst v63  }
0x7c: {  	s12 =	simm.s32 @!p0 $0x8  }
0x7d: {  	_ =	swait.ge @!p0 [sflag:s12], $0x4000  }
0x7e: {  	[sflag:s12] =	ssyncset.done @!p0 $0x0  }
0x7f: {  	[sflag:s12] =	ssyncadd.s32 @!p0 $0xFFFFC000  }
0x80: {  	v3 =	vld [tilespmem:s30+$0x0];
	_ =	sdelay $0x4  }
0x81: {  	v63 =	vshll.u32 v3, $0x3  }
0x82: {  	v3 =	vand.u32 $0x7, v3;
	v4 =	vand.u32 $0xFFFFFFC0, v63  }
0x83: {  	v3 =	vor.u32 v3, v4  }
0x84: {  	v4 =	vperm.xlane v3, v0;
	_ =	sdelay $0x1  }
0x85: {  	v4 =	vadd.s32 v1, v4;
	_ =	sdelay $0x4  }
0x86: {  	[tilespmem:s16], [sflag:$0x4] =	stream.indirect_vreg.gather [hbm4b:s1+s3], $0x80, v4, vm0, $0xb8;
	[tilespmem:$0x10400] =	vst v63  }
0x87: {  	v3 =	vperm.xlane v3, v2  }
0x88: {  	[tilespmem:s17], [sflag:$0x4] =	stream.indirect_vreg.gather [hbm4b:s5+s3], $0x80, v4, vm0, $0xb8;
	[tilespmem:$0x10400] =	vst v63  }
0x89: {  	v3 =	vadd.s32 v1, v3  }
0x8a: {  	[tilespmem:s18], [sflag:$0x4] =	stream.indirect_vreg.gather [hbm4b:s6+s3], $0x80, v4, vm0, $0xb8;
	[tilespmem:$0x10400] =	vst v63  }
0x8b: {  	_ = 	snop  }
0x8c: {  	[tilespmem:s19], [sflag:$0x4] =	stream.indirect_vreg.gather [hbm4b:s7+s3], $0x80, v4, vm0, $0xb8;
	[tilespmem:$0x10400] =	vst v63  }
0x8d: {  	_ = 	snop  }
0x8e: {  	[tilespmem:s20], [sflag:$0x4] =	stream.indirect_vreg.gather [hbm4b:s1+s3], $0x80, v3, vm0, $0xb8;
	[tilespmem:$0x10400] =	vst v63  }
0x8f: {  	_ = 	snop  }
0x90: {  	[tilespmem:s21], [sflag:$0x4] =	stream.indirect_vreg.gather [hbm4b:s5+s3], $0x80, v3, vm0, $0xb8;
	[tilespmem:$0x10400] =	vst v63  }
0x91: {  	_ = 	snop  }
0x92: {  	[tilespmem:s23], [sflag:$0x4] =	stream.indirect_vreg.gather [hbm4b:s6+s3], $0x80, v3, vm0, $0xb8;
	[tilespmem:$0x10400] =	vst v63  }
0x93: {  	p0 =	seq.s32 s2, $0x1E000  }
0x94: {  	[tilespmem:s24], [sflag:$0x4] =	stream.indirect_vreg.gather [hbm4b:s7+s3], $0x80, v3, vm0, $0xb8;
	[tilespmem:$0x10400] =	vst v63  }
.Ltmp2:
0x95: {  	_ = 	snop;
	(pc) =	sbr.rel @p0 .LBB2_4-.Ltmp2, $4  }
0x96: {  	_ =	swait.ge [sflag:s25], $0x4000  }
0x97: {  	[sflag:s25] =	ssyncset.done $0x0  }
0x98: {  	s12 =	sadd.s32 $0x1000, s11;
	[sflag:s25] =	ssyncadd.s32 $0xFFFFC000  }
0x99: {  	[hbm4b:s12+s3] =	stream.linear.scatter [tilespmem:s0], [sflag:$0x7], $0x4000, $0x38;
	[tilespmem:$0x10400] =	vst v63  }
0x9a: {  	_ =	swait.ge [sflag:s28], $0x4000  }
0x9b: {  	[sflag:s28] =	ssyncset.done $0x0  }
0x9c: {  	[sflag:s28] =	ssyncadd.s32 $0xFFFFC000  }
0x9d: {  	v3 =	vld [tilespmem:s30+$0x10];
	_ =	sdelay $0x4  }
0x9e: {  	v4 =	vshll.u32 v3, $0x3  }
0x9f: {  	v3 =	vand.u32 $0x7, v3;
	v4 =	vand.u32 $0xFFFFFFC0, v4  }
0xa0: {  	v3 =	vor.u32 v3, v4  }
0xa1: {  	v4 =	vperm.xlane v3, v0;
	_ =	sdelay $0x1  }
0xa2: {  	v4 =	vadd.s32 v1, v4;
	_ =	sdelay $0x4  }
0xa3: {  	[tilespmem:s14], [sflag:$0x1] =	stream.indirect_vreg.gather [hbm4b:s1+s3], $0x80, v4, vm0, $0xb8;
	[tilespmem:$0x10400] =	vst v63  }
0xa4: {  	s12 =	simm.s32 $0xC00;
	v3 =	vperm.xlane v3, v2  }
0xa5: {  	[tilespmem:s12], [sflag:$0x1] =	stream.indirect_vreg.gather [hbm4b:s5+s3], $0x80, v4, vm0, $0xb8;
	[tilespmem:$0x10400] =	vst v63  }
0xa6: {  	v3 =	vadd.s32 v1, v3;
	s12 =	simm.s32 $0x1400  }
0xa7: {  	[tilespmem:s12], [sflag:$0x1] =	stream.indirect_vreg.gather [hbm4b:s6+s3], $0x80, v4, vm0, $0xb8;
	[tilespmem:$0x10400] =	vst v63  }
0xa8: {  	s12 =	simm.s32 $0x1C00  }
0xa9: {  	[tilespmem:s12], [sflag:$0x1] =	stream.indirect_vreg.gather [hbm4b:s7+s3], $0x80, v4, vm0, $0xb8;
	[tilespmem:$0x10400] =	vst v63  }
0xaa: {  	s12 =	simm.s32 $0x2400  }
0xab: {  	[tilespmem:s12], [sflag:$0x1] =	stream.indirect_vreg.gather [hbm4b:s1+s3], $0x80, v3, vm0, $0xb8;
	[tilespmem:$0x10400] =	vst v63  }
0xac: {  	s12 =	simm.s32 $0x2C00  }
0xad: {  	[tilespmem:s12], [sflag:$0x1] =	stream.indirect_vreg.gather [hbm4b:s5+s3], $0x80, v3, vm0, $0xb8;
	[tilespmem:$0x10400] =	vst v63  }
0xae: {  	s12 =	simm.s32 $0x3400  }
0xaf: {  	[tilespmem:s12], [sflag:$0x1] =	stream.indirect_vreg.gather [hbm4b:s6+s3], $0x80, v3, vm0, $0xb8;
	[tilespmem:$0x10400] =	vst v63  }
0xb0: {  	s12 =	simm.s32 $0x3C00  }
0xb1: {  	[tilespmem:s12], [sflag:$0x1] =	stream.indirect_vreg.gather [hbm4b:s7+s3], $0x80, v3, vm0, $0xb8;
	[tilespmem:$0x10400] =	vst v63  }
0xb2: {  	_ =	swait.ge [sflag:s26], $0x4000  }
0xb3: {  	[sflag:s26] =	ssyncset.done $0x0  }
0xb4: {  	s11 =	sadd.s32 $0x1800, s11;
	[sflag:s26] =	ssyncadd.s32 $0xFFFFC000  }
0xb5: {  	[hbm4b:s11+s3] =	stream.linear.scatter [tilespmem:s16], [sflag:$0x8], $0x4000, $0x38;
	[tilespmem:$0x10400] =	vst v63  }
0xb6: {  	_ =	swait.ge [sflag:s29], $0x4000  }
0xb7: {  	[sflag:s29] =	ssyncset.done $0x0  }
0xb8: {  	[sflag:s29] =	ssyncadd.s32 $0xFFFFC000  }
0xb9: {  	v3 =	vld [tilespmem:s30+$0x20];
	_ =	sdelay $0x4  }
0xba: {  	v63 =	vshll.u32 v3, $0x3  }
0xbb: {  	v3 =	vand.u32 $0x7, v3;
	v4 =	vand.u32 $0xFFFFFFC0, v63  }
0xbc: {  	v3 =	vor.u32 v3, v4  }
0xbd: {  	v4 =	vperm.xlane v3, v0;
	_ =	sdelay $0x1  }
0xbe: {  	v4 =	vadd.s32 v1, v4;
	_ =	sdelay $0x4  }
0xbf: {  	[tilespmem:s22], [sflag:$0x2] =	stream.indirect_vreg.gather [hbm4b:s1+s3], $0x80, v4, vm0, $0xb8;
	[tilespmem:$0x10400] =	vst v63  }
0xc0: {  	s12 =	simm.s32 $0x4C00;
	v3 =	vperm.xlane v3, v2  }
0xc1: {  	[tilespmem:s12], [sflag:$0x2] =	stream.indirect_vreg.gather [hbm4b:s5+s3], $0x80, v4, vm0, $0xb8;
	[tilespmem:$0x10400] =	vst v63  }
0xc2: {  	v3 =	vadd.s32 v1, v3;
	s12 =	simm.s32 $0x5400  }
0xc3: {  	[tilespmem:s12], [sflag:$0x2] =	stream.indirect_vreg.gather [hbm4b:s6+s3], $0x80, v4, vm0, $0xb8;
	[tilespmem:$0x10400] =	vst v63  }
0xc4: {  	s12 =	simm.s32 $0x5C00  }
0xc5: {  	[tilespmem:s12], [sflag:$0x2] =	stream.indirect_vreg.gather [hbm4b:s7+s3], $0x80, v4, vm0, $0xb8;
	[tilespmem:$0x10400] =	vst v63  }
0xc6: {  	s12 =	simm.s32 $0x6400  }
0xc7: {  	[tilespmem:s12], [sflag:$0x2] =	stream.indirect_vreg.gather [hbm4b:s1+s3], $0x80, v3, vm0, $0xb8;
	[tilespmem:$0x10400] =	vst v63  }
0xc8: {  	s12 =	simm.s32 $0x6C00  }
0xc9: {  	[tilespmem:s12], [sflag:$0x2] =	stream.indirect_vreg.gather [hbm4b:s5+s3], $0x80, v3, vm0, $0xb8;
	[tilespmem:$0x10400] =	vst v63  }
.Ltmp3:
0xca: {  	_ = 	snop;
	(pc) =	sbr.rel .LBB2_2-.Ltmp3, $4  }
0xcb: {  	s12 =	simm.s32 $0x7400  }
0xcc: {  	[tilespmem:s12], [sflag:$0x2] =	stream.indirect_vreg.gather [hbm4b:s6+s3], $0x80, v3, vm0, $0xb8;
	[tilespmem:$0x10400] =	vst v63  }
0xcd: {  	s2 =	sadd.s32 $0x2000, s2;
	s30 =	sadd.s32 $0x40, s30;
	s12 =	simm.s32 $0x7C00  }
0xce: {  	[tilespmem:s12], [sflag:$0x2] =	stream.indirect_vreg.gather [hbm4b:s7+s3], $0x80, v3, vm0, $0xb8;
	[tilespmem:$0x10400] =	vst v63  }
.LBB2_5:
0xcf: {  	_ =	sfence.sel $0x180000  }
0xd0: {  	[bflag:$0x0] =	sbarrier.arrive $0xFFFF  }
0xd1: {  	_ =	strace $0x90000047  }
0xd2: {  	s0 =	stileid.u32;
	[bflag:$0x2] =	sbarrier.arrive $0xFFFF  }
0xd3: {  	p0 =	sne.s32 s0, $0x0;
	s0 =	rddreg [dreg:$0x3]  }
0xd4: {  	s0 =	sadd.s32 @!p0 $0x100000, s0  }
0xd5: {  	[sflag:s0] =	ssyncadd.tile.s32 @!p0 $0x1;
	_ =	shalt  }
.Lfunc_end2:
_tile_overlayer_lowered:
.L_overlay_start_2:
0xd6: {  	(tag) =	ssettag $0x2  }
0xd7: {  	s0 =	rddreg [dreg:$0x0];
	s2 =	stileid.u32  }
0xd8: {  	s1 =	rddreg [dreg:$0x1];
	p0 =	sne.s32 s2, $0x0  }
0xd9: {  	s3 =	rddreg [dreg:$0x2];
	[bflag:$0x3] =	sbarrier.arrive $0xFFFF;
	s2 =	simm.s32 @!p0 $0x1C09  }
0xda: {  	[timem:s3], [sflag:s2] =	dma.local @!p0 [hbm:s0], s1  }
0xdb: {  	s0 =	simm.s32 @!p0 $0x9  }
0xdc: {  	_ =	swait.ge @!p0 [sflag:s0], s1  }
0xdd: {  	s1 =	ssub.s32 @!p0 $0x0, s1;
	[sflag:s0] =	ssyncset.done @!p0 $0x0  }
0xde: {  	[sflag:s0] =	ssyncadd.s32 @!p0 s1  }
0xdf: {  	[bflag:$0x3] =	sbarrier.arrive $0xFFFF  }
0xe0: {  	_ =	shalt  }

</sc_bundles>
